<compile_context>
chip_gen: v7x
topology: tpu7x:2x2x1
jax: 0.10.2.dev20260603
libtpu: 0.0.44.dev20260713+nightly
codegen_flags: <defaults>
</compile_context>

<pallas_src>
import functools

import jax
import jax.numpy as jnp
from jax import lax
from jax.experimental import pallas as pl
from jax.experimental.pallas import tpu as pltpu
from jax.experimental.pallas import tpu_sc as plsc

N = 512
DIN = 512
DIM = 128
E = 16384
BI = 128

_SC_CORES = 2
_SC_SUBCORES = 16
_ROWS_PER_W = N // _SC_SUBCORES
_HE = E // _SC_CORES
_LANES = 16


def _count_sc_body(src_hbm, dst_hbm, out_hbm, src_v, dst_v, c_v):
    cid = lax.axis_index("c")
    sid = lax.axis_index("s")
    lo = sid * _ROWS_PER_W
    pltpu.sync_copy(src_hbm.at[pl.ds(cid * _HE, _HE)], src_v)
    pltpu.sync_copy(dst_hbm.at[pl.ds(cid * _HE, _HE)], dst_v)
    zeros = jnp.zeros((_LANES,), jnp.float32)

    @plsc.parallel_loop(0, _ROWS_PER_W * N // _LANES, unroll=8)
    def _zero(j):
        c_v[pl.ds(j * _LANES, _LANES)] = zeros

    @plsc.parallel_loop(0, _HE // _LANES, unroll=4)
    def _accum(i):
        d = dst_v[pl.ds(i * _LANES, _LANES)]
        s = src_v[pl.ds(i * _LANES, _LANES)]
        m = (d >= lo) & (d < lo + _ROWS_PER_W)
        idx = (d - lo) * N + s
        cnt, last = plsc.scan_count(idx, m)
        plsc.addupdate_scatter(c_v, [idx], cnt.astype(jnp.float32),
                               mask=last)

    pltpu.sync_copy(
        c_v, out_hbm.at[pl.ds((cid * N + lo) * N, _ROWS_PER_W * N)])


_count_sc = functools.partial(
    pl.kernel,
    out_type=jax.ShapeDtypeStruct((_SC_CORES * N * N,), jnp.float32),
    mesh=plsc.VectorSubcoreMesh(core_axis_name="c", subcore_axis_name="s"),
    compiler_params=pltpu.CompilerParams(needs_layout_passes=False),
    scratch_types=[
        pltpu.VMEM((_HE,), jnp.int32),
        pltpu.VMEM((_HE,), jnp.int32),
        pltpu.VMEM((_ROWS_PER_W * N,), jnp.float32),
    ],
)(_count_sc_body)


def _ln(t, g, b, eps=1e-5):
    mu = jnp.mean(t, axis=-1, keepdims=True)
    d = t - mu
    var = jnp.mean(d * d, axis=-1, keepdims=True)
    return d * jax.lax.rsqrt(var + eps) * g + b


def _gelu(t):
    return 0.5 * t * (1.0 + jax.lax.erf(t * 0.7071067811865476))


def _fused_kernel(c_ref, x_ref,
                  w1a_ref, b1a_ref, g1a_ref, be1a_ref, w2a_ref, b2a_ref,
                  w1b_ref, b1b_ref, g1b_ref, be1b_ref, w2b_ref, b2b_ref,
                  ew1_ref, eb1_ref, g_ref, bes_ref, w2_ref, b2_ref,
                  o_ref,
                  ac_s, bct_s, acg_s, bcgt_s, va_s, vb_s, ben_s):
    i = pl.program_id(0)
    c = 0.7071067811865476

    @pl.when(i == 0)
    def _():
        C = c_ref[0] + c_ref[1]
        x = x_ref[...]

        def gin(h, w1, b1, g1, be1, w2, b2):
            t = jnp.dot(h, w1, preferred_element_type=jnp.float32) + b1
            t = _gelu(_ln(t, g1, be1))
            return jnp.dot(t, w2, preferred_element_type=jnp.float32) + b2

        agg1 = jnp.dot(C, x, preferred_element_type=jnp.float32)
        h = gin(x + agg1, w1a_ref[...], b1a_ref[...], g1a_ref[...],
                be1a_ref[...], w2a_ref[...], b2a_ref[...])
        agg2 = jnp.dot(C, h, preferred_element_type=jnp.float32)
        h = gin(h + agg2, w1b_ref[...], b1b_ref[...], g1b_ref[...],
                be1b_ref[...], w2b_ref[...], b2b_ref[...])
        ew1 = ew1_ref[...]
        g = g_ref[...]
        A = (jnp.dot(h, ew1[:DIM, :], preferred_element_type=jnp.float32)
             + eb1_ref[...])
        B = jnp.dot(h, ew1[DIM:, :], preferred_element_type=jnp.float32)
        Ac = A - jnp.mean(A, axis=-1, keepdims=True)
        va_s[...] = jnp.mean(Ac * Ac, axis=-1, keepdims=True)
        ac_s[...] = Ac
        acg_s[...] = Ac * g
        eye = jnp.eye(DIM, dtype=jnp.float32)
        BT = lax.dot_general(eye, B, (((1,), (1,)), ((), ())),
                             preferred_element_type=jnp.float32)
        ones_row = jnp.ones((1, DIM), jnp.float32)
        mB = lax.dot_general(ones_row, B, (((1,), (1,)), ((), ())),
                             preferred_element_type=jnp.float32) / DIM
        BcT = BT - mB
        bct_s[...] = BcT
        vb_s[...] = jnp.sum(BcT * BcT, axis=0, keepdims=True) / DIM
        bcgt_s[...] = BcT * g_ref[...].reshape(DIM, 1)
        ben_s[...] = jnp.broadcast_to(bes_ref[...], (DIM, N))

    ac = ac_s[pl.ds(i * BI, BI), :]
    acg = acg_s[pl.ds(i * BI, BI), :]
    va = va_s[pl.ds(i * BI, BI), :]
    bcgt = bcgt_s[...]
    P = lax.dot_general(ac, bct_s[...], (((1,), (0,)), ((), ())),
                        preferred_element_type=jnp.float32)
    var = va + vb_s[...] + (2.0 / DIM) * P
    rstd = jax.lax.rsqrt(var + 1e-5) * c
    s = ((acg[:, :, None] + bcgt[None, :, :]) * rstd[:, None, :]
         + ben_s[...][None, :, :])
    y = s + s * jax.lax.erf(s)
    w2 = w2_ref[...]
    rows = [lax.dot_general(w2, y[k], (((1,), (0,)), ((), ())),
                            preferred_element_type=jnp.float32)
            for k in range(BI)]
    o = jnp.concatenate(rows, axis=0)
    o_ref[...] = jax.nn.sigmoid(o + b2_ref[...])


def kernel(x, edge_index, c1_W1, c1_b1, c1_g1, c1_be1, c1_W2, c1_b2,
           c2_W1, c2_b1, c2_g1, c2_be1, c2_W2, c2_b2,
           e_W1, e_b1, e_g1, e_be1, e_W2, e_b2):
    ei = edge_index.astype(jnp.int32)
    src = ei[0]
    dst = ei[1]

    C = _count_sc(src, dst).reshape(_SC_CORES, N, N)

    r = lambda v: v.reshape(1, -1)
    full = lambda shape: pl.BlockSpec(shape, lambda i: tuple(0 for _ in shape))
    bes = (e_be1 * 0.7071067811865476).reshape(DIM, 1)
    out = pl.pallas_call(
        _fused_kernel,
        grid=(N // BI,),
        in_specs=[full((_SC_CORES, N, N)), full((N, DIN)),
                  full((DIN, DIM)), full((1, DIM)), full((1, DIM)),
                  full((1, DIM)), full((DIM, DIM)), full((1, DIM)),
                  full((DIM, DIM)), full((1, DIM)), full((1, DIM)),
                  full((1, DIM)), full((DIM, DIM)), full((1, DIM)),
                  full((2 * DIM, DIM)), full((1, DIM)), full((1, DIM)),
                  full((DIM, 1)), full((1, DIM)), full((1, 1))],
        out_specs=pl.BlockSpec((BI, N), lambda i: (i, 0)),
        out_shape=jax.ShapeDtypeStruct((N, N), jnp.float32),
        scratch_shapes=[pltpu.VMEM((N, DIM), jnp.float32),
                        pltpu.VMEM((DIM, N), jnp.float32),
                        pltpu.VMEM((N, DIM), jnp.float32),
                        pltpu.VMEM((DIM, N), jnp.float32),
                        pltpu.VMEM((N, 1), jnp.float32),
                        pltpu.VMEM((1, N), jnp.float32),
                        pltpu.VMEM((DIM, N), jnp.float32)],
    )(C, x,
      c1_W1, r(c1_b1), r(c1_g1), r(c1_be1), c1_W2, r(c1_b2),
      c2_W1, r(c2_b1), r(c2_g1), r(c2_be1), c2_W2, r(c2_b2),
      e_W1, r(e_b1), r(e_g1), bes,
      (e_W2 * 0.7071067811865476).reshape(1, DIM),
      e_b2.reshape(1, 1))
    return out

# --- scband reference (transcript-rebuilt; emitter-appended) ---
"""Pipeline reference for scband-causal-discoverer-87935160418969 (READ-ONLY COPY).

The authoritative reference and input builder live on the scoring server;
editing this copy changes nothing except your own understanding.
"""

import jax, jax.numpy as jnp
import numpy as np

N = 512
D_IN = 512
DIM = 128
E = 16384


def _layer_norm(x, g, b, eps=1e-5):
    mu = jnp.mean(x, axis=-1, keepdims=True)
    var = jnp.var(x, axis=-1, keepdims=True)
    return (x - mu) / jnp.sqrt(var + eps) * g + b


def _gin_mlp(h, W1, b1, g1, be1, W2, b2):
    h = h @ W1 + b1
    h = _layer_norm(h, g1, be1)
    h = jax.nn.gelu(h, approximate=False)
    # dropout is identity in eval mode
    return h @ W2 + b2


def setup_inputs(seed: int = 0) -> dict:
    key = jax.random.key(seed)
    ks = jax.random.split(key, 24)
    inp = {
        'x': jax.random.normal(ks[0], (N, D_IN), dtype=jnp.float32),
        'edge_index': jax.random.randint(ks[1], (2, E), 0, N, dtype=jnp.int64),
        # conv1 GIN MLP params
        'c1_W1': jax.random.normal(ks[2], (D_IN, DIM), dtype=jnp.float32) * 0.05,
        'c1_b1': jnp.zeros((DIM,), jnp.float32),
        'c1_g1': jnp.ones((DIM,), jnp.float32),
        'c1_be1': jnp.zeros((DIM,), jnp.float32),
        'c1_W2': jax.random.normal(ks[3], (DIM, DIM), dtype=jnp.float32) * 0.05,
        'c1_b2': jnp.zeros((DIM,), jnp.float32),
        # conv2 GIN MLP params
        'c2_W1': jax.random.normal(ks[4], (DIM, DIM), dtype=jnp.float32) * 0.05,
        'c2_b1': jnp.zeros((DIM,), jnp.float32),
        'c2_g1': jnp.ones((DIM,), jnp.float32),
        'c2_be1': jnp.zeros((DIM,), jnp.float32),
        'c2_W2': jax.random.normal(ks[5], (DIM, DIM), dtype=jnp.float32) * 0.05,
        'c2_b2': jnp.zeros((DIM,), jnp.float32),
        # edge MLP params
        'e_W1': jax.random.normal(ks[6], (2 * DIM, DIM), dtype=jnp.float32) * 0.05,
        'e_b1': jnp.zeros((DIM,), jnp.float32),
        'e_g1': jnp.ones((DIM,), jnp.float32),
        'e_be1': jnp.zeros((DIM,), jnp.float32),
        'e_W2': jax.random.normal(ks[7], (DIM, 1), dtype=jnp.float32) * 0.05,
        'e_b2': jnp.zeros((1,), jnp.float32),
    }
    return inp


def reference(x, edge_index, c1_W1, c1_b1, c1_g1, c1_be1, c1_W2, c1_b2,
              c2_W1, c2_b1, c2_g1, c2_be1, c2_W2, c2_b2,
              e_W1, e_b1, e_g1, e_be1, e_W2, e_b2):
    src = edge_index[0]
    dst = edge_index[1]
    # GINConv layer 1: h_i = MLP((1+eps)*x_i + sum_{j in N(i)} x_j), eps=0
    agg1 = jax.ops.segment_sum(x[src], dst, num_segments=N)
    h = _gin_mlp(x + agg1, c1_W1, c1_b1, c1_g1, c1_be1, c1_W2, c1_b2)
    # GINConv layer 2
    agg2 = jax.ops.segment_sum(h[src], dst, num_segments=N)
    h = _gin_mlp(h + agg2, c2_W1, c2_b1, c2_g1, c2_be1, c2_W2, c2_b2)
    # dense pairwise edge features: ef[i, j] = concat(h_i, h_j)
    ef = jnp.concatenate([
        jnp.broadcast_to(h[:, None, :], (N, N, DIM)),
        jnp.broadcast_to(h[None, :, :], (N, N, DIM)),
    ], axis=-1)
    z = ef @ e_W1 + e_b1
    z = _layer_norm(z, e_g1, e_be1)
    z = jax.nn.gelu(z, approximate=False)
    z = z @ e_W2 + e_b2
    edge_probs = jax.nn.sigmoid(z).squeeze(-1)
    return edge_probs

if __name__ == "__main__":
    import jax
    _d = setup_inputs()
    print(jax.jit(kernel)(*tuple(_d.values())))

</pallas_src>

<mosaic_0001>
#map = affine_map<(d0, d1) -> (0)>
module attributes {stable_mosaic.version = 14 : i64} {
  func.func @_count_sc_body(%arg0: i32, %arg1: i32, %arg2: memref<16384xi32, #tpu.memory_space<hbm>>, %arg3: memref<16384xi32, #tpu.memory_space<hbm>>, %arg4: memref<524288xf32, #tpu.memory_space<hbm>>, %arg5: memref<8192xi32, #tpu.memory_space<vmem>>, %arg6: memref<8192xi32, #tpu.memory_space<vmem>>, %arg7: memref<16384xf32, #tpu.memory_space<vmem>>) attributes {dimension_semantics = [#tpu.dimension_semantics<core_parallel>, #tpu.dimension_semantics<subcore_parallel>], iteration_bounds = array<i64: 2, 16>, scalar_prefetch = 0 : i64, scratch_operands = 3 : i64, tpu.core_type = #tpu.core_type<sc_vector_subcore>, window_params = [{transform_indices = #map}, {transform_indices = #map}, {transform_indices = #map}]} {
    %mul3A = arith.constant 32 : i32
    %mul3A_0 = arith.muli %arg1, %mul3A : i32
    %mul3A_1 = arith.constant 8192 : i32
    %mul3A_2 = arith.muli %arg0, %mul3A_1 : i32
    "tpu.region"() ({
      %run_scoped3A = tpu.sem_alloc : memref<!tpu.dma_semaphore, #tpu.memory_space<semaphore_mem>>
      %dma_start3A = tpu.memref_slice %arg2[%mul3A_2] : memref<16384xi32, #tpu.memory_space<hbm>> -> memref<8192xi32, #tpu.memory_space<hbm>>
      %dma_start3A_15 = tpu.memref_slice %arg2[%mul3A_2] : memref<16384xi32, #tpu.memory_space<hbm>> -> memref<8192xi32, #tpu.memory_space<hbm>>
      tpu.enqueue_dma source(%dma_start3A_15 : memref<8192xi32, #tpu.memory_space<hbm>>) target(%arg5 : memref<8192xi32, #tpu.memory_space<vmem>>) target_semaphore(%run_scoped3A : memref<!tpu.dma_semaphore, #tpu.memory_space<semaphore_mem>>)
      %dma_wait3A = tpu.memref_slice %arg2[%mul3A_2] : memref<16384xi32, #tpu.memory_space<hbm>> -> memref<8192xi32, #tpu.memory_space<hbm>>
      %dma_wait3A_16 = tpu.memref_slice %arg2[%mul3A_2] : memref<16384xi32, #tpu.memory_space<hbm>> -> memref<8192xi32, #tpu.memory_space<hbm>>
      tpu.wait_dma2 semaphore(%run_scoped3A : memref<!tpu.dma_semaphore, #tpu.memory_space<semaphore_mem>>) src(%dma_wait3A_16 : memref<8192xi32, #tpu.memory_space<hbm>>) dst(%arg5 : memref<8192xi32, #tpu.memory_space<vmem>>)
      tpu.yield
    }) : () -> ()
    %mul3A_3 = arith.constant 8192 : i32
    %mul3A_4 = arith.muli %arg0, %mul3A_3 : i32
    "tpu.region"() ({
      %run_scoped3A = tpu.sem_alloc : memref<!tpu.dma_semaphore, #tpu.memory_space<semaphore_mem>>
      %dma_start3A = tpu.memref_slice %arg3[%mul3A_4] : memref<16384xi32, #tpu.memory_space<hbm>> -> memref<8192xi32, #tpu.memory_space<hbm>>
      %dma_start3A_15 = tpu.memref_slice %arg3[%mul3A_4] : memref<16384xi32, #tpu.memory_space<hbm>> -> memref<8192xi32, #tpu.memory_space<hbm>>
      tpu.enqueue_dma source(%dma_start3A_15 : memref<8192xi32, #tpu.memory_space<hbm>>) target(%arg6 : memref<8192xi32, #tpu.memory_space<vmem>>) target_semaphore(%run_scoped3A : memref<!tpu.dma_semaphore, #tpu.memory_space<semaphore_mem>>)
      %dma_wait3A = tpu.memref_slice %arg3[%mul3A_4] : memref<16384xi32, #tpu.memory_space<hbm>> -> memref<8192xi32, #tpu.memory_space<hbm>>
      %dma_wait3A_16 = tpu.memref_slice %arg3[%mul3A_4] : memref<16384xi32, #tpu.memory_space<hbm>> -> memref<8192xi32, #tpu.memory_space<hbm>>
      tpu.wait_dma2 semaphore(%run_scoped3A : memref<!tpu.dma_semaphore, #tpu.memory_space<semaphore_mem>>) src(%dma_wait3A_16 : memref<8192xi32, #tpu.memory_space<hbm>>) dst(%arg6 : memref<8192xi32, #tpu.memory_space<vmem>>)
      tpu.yield
    }) : () -> ()
    %broadcast_in_dim3A = arith.constant 0.000000e+00 : f32
    %broadcast_in_dim3A_5 = vector.broadcast %broadcast_in_dim3A : f32 to vector<16xf32>
    %parallel_loop3A = arith.constant 0 : i32
    %parallel_loop3A_6 = arith.constant 1024 : i32
    %parallel_loop3A_7 = arith.constant 1 : i32
    scf.for %parallel_loop3A_15 = %parallel_loop3A to %parallel_loop3A_6 step %parallel_loop3A_7  : i32 {
      %parallel_loop3A_16 = arith.constant 16 : i32
      %parallel_loop3A_17 = arith.muli %parallel_loop3A_15, %parallel_loop3A_16 : i32
      %parallel_loop3A_18 = arith.index_cast %parallel_loop3A_17 : i32 to index
      %parallel_loop3A_19 = tpu.vector_load %arg7[%parallel_loop3A_18] {strides = array<i32>} : memref<16384xf32, #tpu.memory_space<vmem>>, vector<16xf32>,
      tpu.vector_store %arg7[%parallel_loop3A_18], %broadcast_in_dim3A_5 {strides = array<i32>} : memref<16384xf32, #tpu.memory_space<vmem>>, vector<16xf32>,
    } {sc.loop_unroll_factor = 8 : i64, sc.parallel_access}
    %parallel_loop3A_8 = arith.constant 0 : i32
    %parallel_loop3A_9 = arith.constant 512 : i32
    %parallel_loop3A_10 = arith.constant 1 : i32
    scf.for %parallel_loop3A_15 = %parallel_loop3A_8 to %parallel_loop3A_9 step %parallel_loop3A_10  : i32 {
      %parallel_loop3A_16 = arith.constant 16 : i32
      %parallel_loop3A_17 = arith.muli %parallel_loop3A_15, %parallel_loop3A_16 : i32
      %parallel_loop3A_18 = arith.index_cast %parallel_loop3A_17 : i32 to index
      %parallel_loop3A_19 = tpu.vector_load %arg6[%parallel_loop3A_18] {strides = array<i32>} : memref<8192xi32, #tpu.memory_space<vmem>>, vector<16xi32>,
      %parallel_loop3A_20 = arith.constant 16 : i32
      %parallel_loop3A_21 = arith.muli %parallel_loop3A_15, %parallel_loop3A_20 : i32
      %parallel_loop3A_22 = arith.index_cast %parallel_loop3A_21 : i32 to index
      %parallel_loop3A_23 = tpu.vector_load %arg5[%parallel_loop3A_22] {strides = array<i32>} : memref<8192xi32, #tpu.memory_space<vmem>>, vector<16xi32>,
      %parallel_loop3A_24 = vector.broadcast %mul3A_0 : i32 to vector<16xi32>
      %parallel_loop3A_25 = arith.cmpi sge, %parallel_loop3A_19, %parallel_loop3A_24 : vector<16xi32>
      %parallel_loop3A_26 = arith.constant 32 : i32
      %parallel_loop3A_27 = arith.addi %mul3A_0, %parallel_loop3A_26 : i32
      %parallel_loop3A_28 = vector.broadcast %parallel_loop3A_27 : i32 to vector<16xi32>
      %parallel_loop3A_29 = arith.cmpi slt, %parallel_loop3A_19, %parallel_loop3A_28 : vector<16xi32>
      %parallel_loop3A_30 = arith.andi %parallel_loop3A_25, %parallel_loop3A_29 : vector<16xi1>
      %parallel_loop3A_31 = vector.broadcast %mul3A_0 : i32 to vector<16xi32>
      %parallel_loop3A_32 = arith.subi %parallel_loop3A_19, %parallel_loop3A_31 : vector<16xi32>
      %parallel_loop3A_33 = arith.constant 512 : i32
      %parallel_loop3A_34 = vector.broadcast %parallel_loop3A_33 : i32 to vector<16xi32>
      %parallel_loop3A_35 = arith.muli %parallel_loop3A_32, %parallel_loop3A_34 : vector<16xi32>
      %parallel_loop3A_36 = arith.addi %parallel_loop3A_35, %parallel_loop3A_23 : vector<16xi32>
      %parallel_loop3A_37, %parallel_loop3A_38 = tpu.scan_count mask(%parallel_loop3A_30 : vector<16xi1>) value(%parallel_loop3A_36 : vector<16xi32>) : vector<16xi1>, vector<16xi32>
      %parallel_loop3A_39 = arith.sitofp %parallel_loop3A_38 : vector<16xi32> to vector<16xf32>
      tpu.vector_store_idx %arg7[%parallel_loop3A_36], %parallel_loop3A_39 masked %parallel_loop3A_37 {add = true} : memref<16384xf32, #tpu.memory_space<vmem>>[vector<16xi32>], vector<16xf32>, vector<16xi1>
    } {sc.loop_unroll_factor = 4 : i64, sc.parallel_access}
    %mul3A_11 = arith.constant 512 : i32
    %mul3A_12 = arith.muli %arg0, %mul3A_11 : i32
    %add3A = arith.addi %mul3A_12, %mul3A_0 : i32
    %mul3A_13 = arith.constant 512 : i32
    %mul3A_14 = arith.muli %add3A, %mul3A_13 : i32
    "tpu.region"() ({
      %run_scoped3A = tpu.sem_alloc : memref<!tpu.dma_semaphore, #tpu.memory_space<semaphore_mem>>
      %dma_start3A = tpu.memref_slice %arg4[%mul3A_14] : memref<524288xf32, #tpu.memory_space<hbm>> -> memref<16384xf32, #tpu.memory_space<hbm>>
      %dma_start3A_15 = tpu.memref_slice %arg4[%mul3A_14] : memref<524288xf32, #tpu.memory_space<hbm>> -> memref<16384xf32, #tpu.memory_space<hbm>>
      tpu.enqueue_dma source(%arg7 : memref<16384xf32, #tpu.memory_space<vmem>>) target(%dma_start3A_15 : memref<16384xf32, #tpu.memory_space<hbm>>) target_semaphore(%run_scoped3A : memref<!tpu.dma_semaphore, #tpu.memory_space<semaphore_mem>>)
      %dma_wait3A = tpu.memref_slice %arg4[%mul3A_14] : memref<524288xf32, #tpu.memory_space<hbm>> -> memref<16384xf32, #tpu.memory_space<hbm>>
      %dma_wait3A_16 = tpu.memref_slice %arg4[%mul3A_14] : memref<524288xf32, #tpu.memory_space<hbm>> -> memref<16384xf32, #tpu.memory_space<hbm>>
      tpu.wait_dma2 semaphore(%run_scoped3A : memref<!tpu.dma_semaphore, #tpu.memory_space<semaphore_mem>>) src(%arg7 : memref<16384xf32, #tpu.memory_space<vmem>>) dst(%dma_wait3A_16 : memref<16384xf32, #tpu.memory_space<hbm>>)
      tpu.yield
    }) : () -> ()
    return
  }
}

module attributes {stable_mosaic.version = 14 : i64} {
  func.func @_fused_kernel(%arg0: i32, %arg1: memref<2x512x512xf32, #tpu.memory_space<vmem>>, %arg2: memref<512x512xf32, #tpu.memory_space<vmem>>, %arg3: memref<512x128xf32, #tpu.memory_space<vmem>>, %arg4: memref<1x128xf32, #tpu.memory_space<vmem>>, %arg5: memref<1x128xf32, #tpu.memory_space<vmem>>, %arg6: memref<1x128xf32, #tpu.memory_space<vmem>>, %arg7: memref<128x128xf32, #tpu.memory_space<vmem>>, %arg8: memref<1x128xf32, #tpu.memory_space<vmem>>, %arg9: memref<128x128xf32, #tpu.memory_space<vmem>>, %arg10: memref<1x128xf32, #tpu.memory_space<vmem>>, %arg11: memref<1x128xf32, #tpu.memory_space<vmem>>, %arg12: memref<1x128xf32, #tpu.memory_space<vmem>>, %arg13: memref<128x128xf32, #tpu.memory_space<vmem>>, %arg14: memref<1x128xf32, #tpu.memory_space<vmem>>, %arg15: memref<256x128xf32, #tpu.memory_space<vmem>>, %arg16: memref<1x128xf32, #tpu.memory_space<vmem>>, %arg17: memref<1x128xf32, #tpu.memory_space<vmem>>, %arg18: memref<128x1xf32, #tpu.memory_space<vmem>>, %arg19: memref<1x128xf32, #tpu.memory_space<vmem>>, %arg20: memref<1x1xf32, #tpu.memory_space<vmem>>, %arg21: memref<128x512xf32, #tpu.memory_space<vmem>>, %arg22: memref<512x128xf32, #tpu.memory_space<vmem>>, %arg23: memref<128x512xf32, #tpu.memory_space<vmem>>, %arg24: memref<512x128xf32, #tpu.memory_space<vmem>>, %arg25: memref<128x512xf32, #tpu.memory_space<vmem>>, %arg26: memref<512x1xf32, #tpu.memory_space<vmem>>, %arg27: memref<1x512xf32, #tpu.memory_space<vmem>>, %arg28: memref<128x512xf32, #tpu.memory_space<vmem>>) attributes {dimension_semantics = [#tpu.dimension_semantics<arbitrary>], iteration_bounds = array<i64: 4>, scalar_prefetch = 0 : i64, scratch_operands = 7 : i64, tpu.core_type = #tpu.core_type<tc>, window_params = [{pipeline_mode = #tpu.pipeline_mode<synchronous>, transform_indices = @transform_0, window_bounds = array<i64: 2, 512, 512>}, {pipeline_mode = #tpu.pipeline_mode<synchronous>, transform_indices = @transform_1, window_bounds = array<i64: 512, 512>}, {pipeline_mode = #tpu.pipeline_mode<synchronous>, transform_indices = @transform_2, window_bounds = array<i64: 512, 128>}, {pipeline_mode = #tpu.pipeline_mode<synchronous>, transform_indices = @transform_3, window_bounds = array<i64: 1, 128>}, {pipeline_mode = #tpu.pipeline_mode<synchronous>, transform_indices = @transform_4, window_bounds = array<i64: 1, 128>}, {pipeline_mode = #tpu.pipeline_mode<synchronous>, transform_indices = @transform_5, window_bounds = array<i64: 1, 128>}, {pipeline_mode = #tpu.pipeline_mode<synchronous>, transform_indices = @transform_6, window_bounds = array<i64: 128, 128>}, {pipeline_mode = #tpu.pipeline_mode<synchronous>, transform_indices = @transform_7, window_bounds = array<i64: 1, 128>}, {pipeline_mode = #tpu.pipeline_mode<synchronous>, transform_indices = @transform_8, window_bounds = array<i64: 128, 128>}, {pipeline_mode = #tpu.pipeline_mode<synchronous>, transform_indices = @transform_9, window_bounds = array<i64: 1, 128>}, {pipeline_mode = #tpu.pipeline_mode<synchronous>, transform_indices = @transform_10, window_bounds = array<i64: 1, 128>}, {pipeline_mode = #tpu.pipeline_mode<synchronous>, transform_indices = @transform_11, window_bounds = array<i64: 1, 128>}, {pipeline_mode = #tpu.pipeline_mode<synchronous>, transform_indices = @transform_12, window_bounds = array<i64: 128, 128>}, {pipeline_mode = #tpu.pipeline_mode<synchronous>, transform_indices = @transform_13, window_bounds = array<i64: 1, 128>}, {pipeline_mode = #tpu.pipeline_mode<synchronous>, transform_indices = @transform_14, window_bounds = array<i64: 256, 128>}, {pipeline_mode = #tpu.pipeline_mode<synchronous>, transform_indices = @transform_15, window_bounds = array<i64: 1, 128>}, {pipeline_mode = #tpu.pipeline_mode<synchronous>, transform_indices = @transform_16, window_bounds = array<i64: 1, 128>}, {pipeline_mode = #tpu.pipeline_mode<synchronous>, transform_indices = @transform_17, window_bounds = array<i64: 128, 1>}, {pipeline_mode = #tpu.pipeline_mode<synchronous>, transform_indices = @transform_18, window_bounds = array<i64: 1, 128>}, {pipeline_mode = #tpu.pipeline_mode<synchronous>, transform_indices = @transform_19, window_bounds = array<i64: 1, 1>}, {transform_indices = @transform_20, window_bounds = array<i64: 128, 512>}]} {
    %eq3A = arith.constant 0 : i32
    %eq3A_0 = arith.cmpi eq, %arg0, %eq3A : i32
    %convert_element_type3A = arith.extui %eq3A_0 : i1 to i32
    %cond3A = arith.constant 0 : i32
    %cond3A_1 = arith.cmpi ne, %convert_element_type3A, %cond3A : i32
    scf.if %cond3A_1 {
      %get3A_577 = arith.constant 0 : index
      %get3A_578 = arith.constant 0 : index
      %get3A_579 = arith.constant 0 : index
      %get3A_580 = vector.load %arg1[%get3A_577, %get3A_578, %get3A_579] : memref<2x512x512xf32, #tpu.memory_space<vmem>>, vector<1x512x512xf32>
      %get3A_581 = vector.shape_cast %get3A_580 : vector<1x512x512xf32> to vector<512x512xf32>
      %get3A_582 = arith.constant 1 : index
      %get3A_583 = arith.constant 0 : index
      %get3A_584 = arith.constant 0 : index
      %get3A_585 = vector.load %arg1[%get3A_582, %get3A_583, %get3A_584] : memref<2x512x512xf32, #tpu.memory_space<vmem>>, vector<1x512x512xf32>
      %get3A_586 = vector.shape_cast %get3A_585 : vector<1x512x512xf32> to vector<512x512xf32>
      %add3A_587 = arith.addf %get3A_581, %get3A_586 : vector<512x512xf32>
      %get3A_588 = arith.constant 0 : index
      %get3A_589 = arith.constant 0 : index
      %get3A_590 = vector.load %arg2[%get3A_588, %get3A_589] : memref<512x512xf32, #tpu.memory_space<vmem>>, vector<512x512xf32>
      %dot_general3A_591 = arith.constant dense<0.000000e+00> : vector<512x512xf32>
      %dot_general3A_592 = tpu.matmul %add3A_587, %get3A_590, %dot_general3A_591 {dimension_numbers = #tpu.dot_dimension_numbers<[1], [0], [0], [1], [0, 0, 1, 1], [], []>, transpose_lhs_hint = false} : vector<512x512xf32>, vector<512x512xf32>, vector<512x512xf32> -> vector<512x512xf32>
      %add3A_593 = arith.addf %get3A_590, %dot_general3A_592 : vector<512x512xf32>
      %get3A_594 = arith.constant 0 : index
      %get3A_595 = arith.constant 0 : index
      %get3A_596 = vector.load %arg3[%get3A_594, %get3A_595] : memref<512x128xf32, #tpu.memory_space<vmem>>, vector<512x128xf32>
      %get3A_597 = arith.constant 0 : index
      %get3A_598 = arith.constant 0 : index
      %get3A_599 = vector.load %arg4[%get3A_597, %get3A_598] : memref<1x128xf32, #tpu.memory_space<vmem>>, vector<1x128xf32>
      %get3A_600 = arith.constant 0 : index
      %get3A_601 = arith.constant 0 : index
      %get3A_602 = vector.load %arg5[%get3A_600, %get3A_601] : memref<1x128xf32, #tpu.memory_space<vmem>>, vector<1x128xf32>
      %get3A_603 = arith.constant 0 : index
      %get3A_604 = arith.constant 0 : index
      %get3A_605 = vector.load %arg6[%get3A_603, %get3A_604] : memref<1x128xf32, #tpu.memory_space<vmem>>, vector<1x128xf32>
      %get3A_606 = arith.constant 0 : index
      %get3A_607 = arith.constant 0 : index
      %get3A_608 = vector.load %arg7[%get3A_606, %get3A_607] : memref<128x128xf32, #tpu.memory_space<vmem>>, vector<128x128xf32>
      %get3A_609 = arith.constant 0 : index
      %get3A_610 = arith.constant 0 : index
      %get3A_611 = vector.load %arg8[%get3A_609, %get3A_610] : memref<1x128xf32, #tpu.memory_space<vmem>>, vector<1x128xf32>
      %dot_general3A_612 = arith.constant dense<0.000000e+00> : vector<512x128xf32>
      %dot_general3A_613 = tpu.matmul %add3A_593, %get3A_596, %dot_general3A_612 {dimension_numbers = #tpu.dot_dimension_numbers<[1], [0], [0], [1], [0, 0, 1, 1], [], []>, transpose_lhs_hint = false} : vector<512x512xf32>, vector<512x128xf32>, vector<512x128xf32> -> vector<512x128xf32>
      %add3A_614 = vector.broadcast %get3A_599 : vector<1x128xf32> to vector<512x128xf32>
      %add3A_615 = arith.addf %dot_general3A_613, %add3A_614 : vector<512x128xf32>
      %reduce_sum3A = arith.constant dense<0.000000e+00> : vector<512xf32>
      %reduce_sum3A_616 = vector.multi_reduction <add>, %add3A_615, %reduce_sum3A [1] : vector<512x128xf32> to vector<512xf32>
      %broadcast_in_dim3A_617 = vector.shape_cast %reduce_sum3A_616 : vector<512xf32> to vector<512x1xf32>
      %div3A = arith.constant 1.280000e+02 : f32
      %div3A_618 = vector.broadcast %div3A : f32 to vector<512x1xf32>
      %div3A_619 = arith.divf %broadcast_in_dim3A_617, %div3A_618 : vector<512x1xf32>
      %sub3A = vector.broadcast %div3A_619 : vector<512x1xf32> to vector<512x128xf32>
      %sub3A_620 = arith.subf %add3A_615, %sub3A : vector<512x128xf32>
      %mul3A_621 = arith.mulf %sub3A_620, %sub3A_620 : vector<512x128xf32>
      %reduce_sum3A_622 = arith.constant dense<0.000000e+00> : vector<512xf32>
      %reduce_sum3A_623 = vector.multi_reduction <add>, %mul3A_621, %reduce_sum3A_622 [1] : vector<512x128xf32> to vector<512xf32>
      %broadcast_in_dim3A_624 = vector.shape_cast %reduce_sum3A_623 : vector<512xf32> to vector<512x1xf32>
      %div3A_625 = arith.constant 1.280000e+02 : f32
      %div3A_626 = vector.broadcast %div3A_625 : f32 to vector<512x1xf32>
      %div3A_627 = arith.divf %broadcast_in_dim3A_624, %div3A_626 : vector<512x1xf32>
      %add3A_628 = arith.constant 9.99999974E-6 : f32
      %add3A_629 = vector.broadcast %add3A_628 : f32 to vector<512x1xf32>
      %add3A_630 = arith.addf %div3A_627, %add3A_629 : vector<512x1xf32>
      %rsqrt3A_631 = math.rsqrt %add3A_630 : vector<512x1xf32>
      %mul3A_632 = vector.broadcast %rsqrt3A_631 : vector<512x1xf32> to vector<512x128xf32>
      %mul3A_633 = arith.mulf %sub3A_620, %mul3A_632 : vector<512x128xf32>
      %mul3A_634 = vector.broadcast %get3A_602 : vector<1x128xf32> to vector<512x128xf32>
      %mul3A_635 = arith.mulf %mul3A_633, %mul3A_634 : vector<512x128xf32>
      %add3A_636 = vector.broadcast %get3A_605 : vector<1x128xf32> to vector<512x128xf32>
      %add3A_637 = arith.addf %mul3A_635, %add3A_636 : vector<512x128xf32>
      %mul3A_638 = arith.constant 5.000000e-01 : f32
      %mul3A_639 = vector.broadcast %mul3A_638 : f32 to vector<512x128xf32>
      %mul3A_640 = arith.mulf %mul3A_639, %add3A_637 : vector<512x128xf32>
      %mul3A_641 = arith.constant 0.707106769 : f32
      %mul3A_642 = vector.broadcast %mul3A_641 : f32 to vector<512x128xf32>
      %mul3A_643 = arith.mulf %add3A_637, %mul3A_642 : vector<512x128xf32>
      %erf3A_644 = math.erf %mul3A_643 : vector<512x128xf32>
      %add3A_645 = arith.constant 1.000000e+00 : f32
      %add3A_646 = vector.broadcast %add3A_645 : f32 to vector<512x128xf32>
      %add3A_647 = arith.addf %add3A_646, %erf3A_644 : vector<512x128xf32>
      %mul3A_648 = arith.mulf %mul3A_640, %add3A_647 : vector<512x128xf32>
      %dot_general3A_649 = arith.constant dense<0.000000e+00> : vector<512x128xf32>
      %dot_general3A_650 = tpu.matmul %mul3A_648, %get3A_608, %dot_general3A_649 {dimension_numbers = #tpu.dot_dimension_numbers<[1], [0], [0], [1], [0, 0, 1, 1], [], []>, transpose_lhs_hint = false} : vector<512x128xf32>, vector<128x128xf32>, vector<512x128xf32> -> vector<512x128xf32>
      %add3A_651 = vector.broadcast %get3A_611 : vector<1x128xf32> to vector<512x128xf32>
      %add3A_652 = arith.addf %dot_general3A_650, %add3A_651 : vector<512x128xf32>
      %dot_general3A_653 = arith.constant dense<0.000000e+00> : vector<512x128xf32>
      %dot_general3A_654 = tpu.matmul %add3A_587, %add3A_652, %dot_general3A_653 {dimension_numbers = #tpu.dot_dimension_numbers<[1], [0], [0], [1], [0, 0, 1, 1], [], []>, transpose_lhs_hint = false} : vector<512x512xf32>, vector<512x128xf32>, vector<512x128xf32> -> vector<512x128xf32>
      %add3A_655 = arith.addf %add3A_652, %dot_general3A_654 : vector<512x128xf32>
      %get3A_656 = arith.constant 0 : index
      %get3A_657 = arith.constant 0 : index
      %get3A_658 = vector.load %arg9[%get3A_656, %get3A_657] : memref<128x128xf32, #tpu.memory_space<vmem>>, vector<128x128xf32>
      %get3A_659 = arith.constant 0 : index
      %get3A_660 = arith.constant 0 : index
      %get3A_661 = vector.load %arg10[%get3A_659, %get3A_660] : memref<1x128xf32, #tpu.memory_space<vmem>>, vector<1x128xf32>
      %get3A_662 = arith.constant 0 : index
      %get3A_663 = arith.constant 0 : index
      %get3A_664 = vector.load %arg11[%get3A_662, %get3A_663] : memref<1x128xf32, #tpu.memory_space<vmem>>, vector<1x128xf32>
      %get3A_665 = arith.constant 0 : index
      %get3A_666 = arith.constant 0 : index
      %get3A_667 = vector.load %arg12[%get3A_665, %get3A_666] : memref<1x128xf32, #tpu.memory_space<vmem>>, vector<1x128xf32>
      %get3A_668 = arith.constant 0 : index
      %get3A_669 = arith.constant 0 : index
      %get3A_670 = vector.load %arg13[%get3A_668, %get3A_669] : memref<128x128xf32, #tpu.memory_space<vmem>>, vector<128x128xf32>
      %get3A_671 = arith.constant 0 : index
      %get3A_672 = arith.constant 0 : index
      %get3A_673 = vector.load %arg14[%get3A_671, %get3A_672] : memref<1x128xf32, #tpu.memory_space<vmem>>, vector<1x128xf32>
      %dot_general3A_674 = arith.constant dense<0.000000e+00> : vector<512x128xf32>
      %dot_general3A_675 = tpu.matmul %add3A_655, %get3A_658, %dot_general3A_674 {dimension_numbers = #tpu.dot_dimension_numbers<[1], [0], [0], [1], [0, 0, 1, 1], [], []>, transpose_lhs_hint = false} : vector<512x128xf32>, vector<128x128xf32>, vector<512x128xf32> -> vector<512x128xf32>
      %add3A_676 = vector.broadcast %get3A_661 : vector<1x128xf32> to vector<512x128xf32>
      %add3A_677 = arith.addf %dot_general3A_675, %add3A_676 : vector<512x128xf32>
      %reduce_sum3A_678 = arith.constant dense<0.000000e+00> : vector<512xf32>
      %reduce_sum3A_679 = vector.multi_reduction <add>, %add3A_677, %reduce_sum3A_678 [1] : vector<512x128xf32> to vector<512xf32>
      %broadcast_in_dim3A_680 = vector.shape_cast %reduce_sum3A_679 : vector<512xf32> to vector<512x1xf32>
      %div3A_681 = arith.constant 1.280000e+02 : f32
      %div3A_682 = vector.broadcast %div3A_681 : f32 to vector<512x1xf32>
      %div3A_683 = arith.divf %broadcast_in_dim3A_680, %div3A_682 : vector<512x1xf32>
      %sub3A_684 = vector.broadcast %div3A_683 : vector<512x1xf32> to vector<512x128xf32>
      %sub3A_685 = arith.subf %add3A_677, %sub3A_684 : vector<512x128xf32>
      %mul3A_686 = arith.mulf %sub3A_685, %sub3A_685 : vector<512x128xf32>
      %reduce_sum3A_687 = arith.constant dense<0.000000e+00> : vector<512xf32>
      %reduce_sum3A_688 = vector.multi_reduction <add>, %mul3A_686, %reduce_sum3A_687 [1] : vector<512x128xf32> to vector<512xf32>
      %broadcast_in_dim3A_689 = vector.shape_cast %reduce_sum3A_688 : vector<512xf32> to vector<512x1xf32>
      %div3A_690 = arith.constant 1.280000e+02 : f32
      %div3A_691 = vector.broadcast %div3A_690 : f32 to vector<512x1xf32>
      %div3A_692 = arith.divf %broadcast_in_dim3A_689, %div3A_691 : vector<512x1xf32>
      %add3A_693 = arith.constant 9.99999974E-6 : f32
      %add3A_694 = vector.broadcast %add3A_693 : f32 to vector<512x1xf32>
      %add3A_695 = arith.addf %div3A_692, %add3A_694 : vector<512x1xf32>
      %rsqrt3A_696 = math.rsqrt %add3A_695 : vector<512x1xf32>
      %mul3A_697 = vector.broadcast %rsqrt3A_696 : vector<512x1xf32> to vector<512x128xf32>
      %mul3A_698 = arith.mulf %sub3A_685, %mul3A_697 : vector<512x128xf32>
      %mul3A_699 = vector.broadcast %get3A_664 : vector<1x128xf32> to vector<512x128xf32>
      %mul3A_700 = arith.mulf %mul3A_698, %mul3A_699 : vector<512x128xf32>
      %add3A_701 = vector.broadcast %get3A_667 : vector<1x128xf32> to vector<512x128xf32>
      %add3A_702 = arith.addf %mul3A_700, %add3A_701 : vector<512x128xf32>
      %mul3A_703 = arith.constant 5.000000e-01 : f32
      %mul3A_704 = vector.broadcast %mul3A_703 : f32 to vector<512x128xf32>
      %mul3A_705 = arith.mulf %mul3A_704, %add3A_702 : vector<512x128xf32>
      %mul3A_706 = arith.constant 0.707106769 : f32
      %mul3A_707 = vector.broadcast %mul3A_706 : f32 to vector<512x128xf32>
      %mul3A_708 = arith.mulf %add3A_702, %mul3A_707 : vector<512x128xf32>
      %erf3A_709 = math.erf %mul3A_708 : vector<512x128xf32>
      %add3A_710 = arith.constant 1.000000e+00 : f32
      %add3A_711 = vector.broadcast %add3A_710 : f32 to vector<512x128xf32>
      %add3A_712 = arith.addf %add3A_711, %erf3A_709 : vector<512x128xf32>
      %mul3A_713 = arith.mulf %mul3A_705, %add3A_712 : vector<512x128xf32>
      %dot_general3A_714 = arith.constant dense<0.000000e+00> : vector<512x128xf32>
      %dot_general3A_715 = tpu.matmul %mul3A_713, %get3A_670, %dot_general3A_714 {dimension_numbers = #tpu.dot_dimension_numbers<[1], [0], [0], [1], [0, 0, 1, 1], [], []>, transpose_lhs_hint = false} : vector<512x128xf32>, vector<128x128xf32>, vector<512x128xf32> -> vector<512x128xf32>
      %add3A_716 = vector.broadcast %get3A_673 : vector<1x128xf32> to vector<512x128xf32>
      %add3A_717 = arith.addf %dot_general3A_715, %add3A_716 : vector<512x128xf32>
      %get3A_718 = arith.constant 0 : index
      %get3A_719 = arith.constant 0 : index
      %get3A_720 = vector.load %arg15[%get3A_718, %get3A_719] : memref<256x128xf32, #tpu.memory_space<vmem>>, vector<256x128xf32>
      %get3A_721 = arith.constant 0 : index
      %get3A_722 = arith.constant 0 : index
      %get3A_723 = vector.load %arg17[%get3A_721, %get3A_722] : memref<1x128xf32, #tpu.memory_space<vmem>>, vector<1x128xf32>
      %slice3A_724 = vector.extract_strided_slice %get3A_720 {offsets = [0, 0], sizes = [128, 128], strides = [1, 1]} : vector<256x128xf32> to vector<128x128xf32>
      %dot_general3A_725 = arith.constant dense<0.000000e+00> : vector<512x128xf32>
      %dot_general3A_726 = tpu.matmul %add3A_717, %slice3A_724, %dot_general3A_725 {dimension_numbers = #tpu.dot_dimension_numbers<[1], [0], [0], [1], [0, 0, 1, 1], [], []>, transpose_lhs_hint = false} : vector<512x128xf32>, vector<128x128xf32>, vector<512x128xf32> -> vector<512x128xf32>
      %get3A_727 = arith.constant 0 : index
      %get3A_728 = arith.constant 0 : index
      %get3A_729 = vector.load %arg16[%get3A_727, %get3A_728] : memref<1x128xf32, #tpu.memory_space<vmem>>, vector<1x128xf32>
      %add3A_730 = vector.broadcast %get3A_729 : vector<1x128xf32> to vector<512x128xf32>
      %add3A_731 = arith.addf %dot_general3A_726, %add3A_730 : vector<512x128xf32>
      %slice3A_732 = vector.extract_strided_slice %get3A_720 {offsets = [128, 0], sizes = [128, 128], strides = [1, 1]} : vector<256x128xf32> to vector<128x128xf32>
      %dot_general3A_733 = arith.constant dense<0.000000e+00> : vector<512x128xf32>
      %dot_general3A_734 = tpu.matmul %add3A_717, %slice3A_732, %dot_general3A_733 {dimension_numbers = #tpu.dot_dimension_numbers<[1], [0], [0], [1], [0, 0, 1, 1], [], []>, transpose_lhs_hint = false} : vector<512x128xf32>, vector<128x128xf32>, vector<512x128xf32> -> vector<512x128xf32>
      %reduce_sum3A_735 = arith.constant dense<0.000000e+00> : vector<512xf32>
      %reduce_sum3A_736 = vector.multi_reduction <add>, %add3A_731, %reduce_sum3A_735 [1] : vector<512x128xf32> to vector<512xf32>
      %broadcast_in_dim3A_737 = vector.shape_cast %reduce_sum3A_736 : vector<512xf32> to vector<512x1xf32>
      %div3A_738 = arith.constant 1.280000e+02 : f32
      %div3A_739 = vector.broadcast %div3A_738 : f32 to vector<512x1xf32>
      %div3A_740 = arith.divf %broadcast_in_dim3A_737, %div3A_739 : vector<512x1xf32>
      %sub3A_741 = vector.broadcast %div3A_740 : vector<512x1xf32> to vector<512x128xf32>
      %sub3A_742 = arith.subf %add3A_731, %sub3A_741 : vector<512x128xf32>
      %mul3A_743 = arith.mulf %sub3A_742, %sub3A_742 : vector<512x128xf32>
      %reduce_sum3A_744 = arith.constant dense<0.000000e+00> : vector<512xf32>
      %reduce_sum3A_745 = vector.multi_reduction <add>, %mul3A_743, %reduce_sum3A_744 [1] : vector<512x128xf32> to vector<512xf32>
      %broadcast_in_dim3A_746 = vector.shape_cast %reduce_sum3A_745 : vector<512xf32> to vector<512x1xf32>
      %div3A_747 = arith.constant 1.280000e+02 : f32
      %div3A_748 = vector.broadcast %div3A_747 : f32 to vector<512x1xf32>
      %div3A_749 = arith.divf %broadcast_in_dim3A_746, %div3A_748 : vector<512x1xf32>
      %swap3A_750 = arith.constant 0 : index
      %swap3A_751 = arith.constant 0 : index
      %swap3A_752 = vector.load %arg26[%swap3A_750, %swap3A_751] : memref<512x1xf32, #tpu.memory_space<vmem>>, vector<512x1xf32>
      tpu.vector_store %arg26[%swap3A_750, %swap3A_751], %div3A_749 {strides = array<i32>} : memref<512x1xf32, #tpu.memory_space<vmem>>, vector<512x1xf32>,
      %swap3A_753 = arith.constant 0 : index
      %swap3A_754 = arith.constant 0 : index
      %swap3A_755 = vector.load %arg22[%swap3A_753, %swap3A_754] : memref<512x128xf32, #tpu.memory_space<vmem>>, vector<512x128xf32>
      tpu.vector_store %arg22[%swap3A_753, %swap3A_754], %sub3A_742 {strides = array<i32>} : memref<512x128xf32, #tpu.memory_space<vmem>>, vector<512x128xf32>,
      %mul3A_756 = vector.broadcast %get3A_723 : vector<1x128xf32> to vector<512x128xf32>
      %mul3A_757 = arith.mulf %sub3A_742, %mul3A_756 : vector<512x128xf32>
      %swap3A_758 = arith.constant 0 : index
      %swap3A_759 = arith.constant 0 : index
      %swap3A_760 = vector.load %arg24[%swap3A_758, %swap3A_759] : memref<512x128xf32, #tpu.memory_space<vmem>>, vector<512x128xf32>
      tpu.vector_store %arg24[%swap3A_758, %swap3A_759], %mul3A_757 {strides = array<i32>} : memref<512x128xf32, #tpu.memory_space<vmem>>, vector<512x128xf32>,
      %iota3A = tpu.iota {dimensions = array<i32: 0>} : vector<128x128xi32>
      %iota3A_761 = tpu.iota {dimensions = array<i32: 1>} : vector<128x128xi32>
      %add3A_762 = arith.constant 0 : i32
      %add3A_763 = vector.broadcast %add3A_762 : i32 to vector<128x128xi32>
      %add3A_764 = arith.addi %iota3A, %add3A_763 : vector<128x128xi32>
      %eq3A_765 = arith.cmpi eq, %add3A_764, %iota3A_761 : vector<128x128xi32>
      %convert_element_type3A_766 = arith.extui %eq3A_765 : vector<128x128xi1> to vector<128x128xi32>
      %convert_element_type3A_767 = arith.sitofp %convert_element_type3A_766 : vector<128x128xi32> to vector<128x128xf32>
      %dot_general3A_768 = arith.constant dense<0.000000e+00> : vector<128x512xf32>
      %dot_general3A_769 = tpu.matmul %convert_element_type3A_767, %dot_general3A_734, %dot_general3A_768 {dimension_numbers = #tpu.dot_dimension_numbers<[1], [1], [0], [0], [0, 0, 1, 0], [], []>, transpose_lhs_hint = false} : vector<128x128xf32>, vector<512x128xf32>, vector<128x512xf32> -> vector<128x512xf32>
      %broadcast_in_dim3A_770 = arith.constant 1.000000e+00 : f32
      %broadcast_in_dim3A_771 = vector.broadcast %broadcast_in_dim3A_770 : f32 to vector<1x128xf32>
      %dot_general3A_772 = arith.constant dense<0.000000e+00> : vector<1x512xf32>
      %dot_general3A_773 = tpu.matmul %broadcast_in_dim3A_771, %dot_general3A_734, %dot_general3A_772 {dimension_numbers = #tpu.dot_dimension_numbers<[1], [1], [0], [0], [0, 0, 1, 0], [], []>, transpose_lhs_hint = false} : vector<1x128xf32>, vector<512x128xf32>, vector<1x512xf32> -> vector<1x512xf32>
      %div3A_774 = arith.constant 1.280000e+02 : f32
      %div3A_775 = vector.broadcast %div3A_774 : f32 to vector<1x512xf32>
      %div3A_776 = arith.divf %dot_general3A_773, %div3A_775 : vector<1x512xf32>
      %sub3A_777 = vector.broadcast %div3A_776 : vector<1x512xf32> to vector<128x512xf32>
      %sub3A_778 = arith.subf %dot_general3A_769, %sub3A_777 : vector<128x512xf32>
      %swap3A_779 = arith.constant 0 : index
      %swap3A_780 = arith.constant 0 : index
      %swap3A_781 = vector.load %arg23[%swap3A_779, %swap3A_780] : memref<128x512xf32, #tpu.memory_space<vmem>>, vector<128x512xf32>
      tpu.vector_store %arg23[%swap3A_779, %swap3A_780], %sub3A_778 {strides = array<i32>} : memref<128x512xf32, #tpu.memory_space<vmem>>, vector<128x512xf32>,
      %mul3A_782 = arith.mulf %sub3A_778, %sub3A_778 : vector<128x512xf32>
      %reduce_sum3A_783 = arith.constant dense<0.000000e+00> : vector<512xf32>
      %reduce_sum3A_784 = vector.multi_reduction <add>, %mul3A_782, %reduce_sum3A_783 [0] : vector<128x512xf32> to vector<512xf32>
      %broadcast_in_dim3A_785 = vector.shape_cast %reduce_sum3A_784 : vector<512xf32> to vector<1x512xf32>
      %div3A_786 = arith.constant 1.280000e+02 : f32
      %div3A_787 = vector.broadcast %div3A_786 : f32 to vector<1x512xf32>
      %div3A_788 = arith.divf %broadcast_in_dim3A_785, %div3A_787 : vector<1x512xf32>
      %swap3A_789 = arith.constant 0 : index
      %swap3A_790 = arith.constant 0 : index
      %swap3A_791 = vector.load %arg27[%swap3A_789, %swap3A_790] : memref<1x512xf32, #tpu.memory_space<vmem>>, vector<1x512xf32>
      tpu.vector_store %arg27[%swap3A_789, %swap3A_790], %div3A_788 {strides = array<i32>} : memref<1x512xf32, #tpu.memory_space<vmem>>, vector<1x512xf32>,
      %get3A_792 = arith.constant 0 : index
      %get3A_793 = arith.constant 0 : index
      %get3A_794 = vector.load %arg17[%get3A_792, %get3A_793] : memref<1x128xf32, #tpu.memory_space<vmem>>, vector<1x128xf32>
      %reshape3A = vector.shape_cast %get3A_794 : vector<1x128xf32> to vector<128x1xf32>
      %mul3A_795 = vector.broadcast %reshape3A : vector<128x1xf32> to vector<128x512xf32>
      %mul3A_796 = arith.mulf %sub3A_778, %mul3A_795 : vector<128x512xf32>
      %swap3A_797 = arith.constant 0 : index
      %swap3A_798 = arith.constant 0 : index
      %swap3A_799 = vector.load %arg25[%swap3A_797, %swap3A_798] : memref<128x512xf32, #tpu.memory_space<vmem>>, vector<128x512xf32>
      tpu.vector_store %arg25[%swap3A_797, %swap3A_798], %mul3A_796 {strides = array<i32>} : memref<128x512xf32, #tpu.memory_space<vmem>>, vector<128x512xf32>,
      %get3A_800 = arith.constant 0 : index
      %get3A_801 = arith.constant 0 : index
      %get3A_802 = vector.load %arg18[%get3A_800, %get3A_801] : memref<128x1xf32, #tpu.memory_space<vmem>>, vector<128x1xf32>
      %broadcast_in_dim3A_803 = vector.shape_cast %get3A_802 : vector<128x1xf32> to vector<128x1xf32>
      %broadcast_in_dim3A_804 = vector.broadcast %broadcast_in_dim3A_803 : vector<128x1xf32> to vector<128x512xf32>
      %swap3A_805 = arith.constant 0 : index
      %swap3A_806 = arith.constant 0 : index
      %swap3A_807 = vector.load %arg28[%swap3A_805, %swap3A_806] : memref<128x512xf32, #tpu.memory_space<vmem>>, vector<128x512xf32>
      tpu.vector_store %arg28[%swap3A_805, %swap3A_806], %broadcast_in_dim3A_804 {strides = array<i32>} : memref<128x512xf32, #tpu.memory_space<vmem>>, vector<128x512xf32>,
    } else {
    }
    %mul3A = arith.constant 128 : i32
    %mul3A_2 = arith.muli %arg0, %mul3A : i32
    %get3A = arith.index_cast %mul3A_2 : i32 to index
    %get3A_3 = arith.constant 0 : index
    %get3A_4 = vector.load %arg22[%get3A, %get3A_3] : memref<512x128xf32, #tpu.memory_space<vmem>>, vector<128x128xf32>
    %mul3A_5 = arith.constant 128 : i32
    %mul3A_6 = arith.muli %arg0, %mul3A_5 : i32
    %get3A_7 = arith.index_cast %mul3A_6 : i32 to index
    %get3A_8 = arith.constant 0 : index
    %get3A_9 = vector.load %arg24[%get3A_7, %get3A_8] : memref<512x128xf32, #tpu.memory_space<vmem>>, vector<128x128xf32>
    %mul3A_10 = arith.constant 128 : i32
    %mul3A_11 = arith.muli %arg0, %mul3A_10 : i32
    %get3A_12 = arith.index_cast %mul3A_11 : i32 to index
    %get3A_13 = arith.constant 0 : index
    %get3A_14 = vector.load %arg26[%get3A_12, %get3A_13] : memref<512x1xf32, #tpu.memory_space<vmem>>, vector<128x1xf32>
    %get3A_15 = arith.constant 0 : index
    %get3A_16 = arith.constant 0 : index
    %get3A_17 = vector.load %arg25[%get3A_15, %get3A_16] : memref<128x512xf32, #tpu.memory_space<vmem>>, vector<128x512xf32>
    %get3A_18 = arith.constant 0 : index
    %get3A_19 = arith.constant 0 : index
    %get3A_20 = vector.load %arg23[%get3A_18, %get3A_19] : memref<128x512xf32, #tpu.memory_space<vmem>>, vector<128x512xf32>
    %dot_general3A = arith.constant dense<0.000000e+00> : vector<128x512xf32>
    %dot_general3A_21 = tpu.matmul %get3A_4, %get3A_20, %dot_general3A {dimension_numbers = #tpu.dot_dimension_numbers<[1], [0], [0], [1], [0, 0, 1, 1], [], []>, transpose_lhs_hint = false} : vector<128x128xf32>, vector<128x512xf32>, vector<128x512xf32> -> vector<128x512xf32>
    %get3A_22 = arith.constant 0 : index
    %get3A_23 = arith.constant 0 : index
    %get3A_24 = vector.load %arg27[%get3A_22, %get3A_23] : memref<1x512xf32, #tpu.memory_space<vmem>>, vector<1x512xf32>
    %add3A = vector.broadcast %get3A_14 : vector<128x1xf32> to vector<128x512xf32>
    %add3A_25 = vector.broadcast %get3A_24 : vector<1x512xf32> to vector<128x512xf32>
    %add3A_26 = arith.addf %add3A, %add3A_25 : vector<128x512xf32>
    %mul3A_27 = arith.constant 1.562500e-02 : f32
    %mul3A_28 = vector.broadcast %mul3A_27 : f32 to vector<128x512xf32>
    %mul3A_29 = arith.mulf %mul3A_28, %dot_general3A_21 : vector<128x512xf32>
    %add3A_30 = arith.addf %add3A_26, %mul3A_29 : vector<128x512xf32>
    %add3A_31 = arith.constant 9.99999974E-6 : f32
    %add3A_32 = vector.broadcast %add3A_31 : f32 to vector<128x512xf32>
    %add3A_33 = arith.addf %add3A_30, %add3A_32 : vector<128x512xf32>
    %rsqrt3A = math.rsqrt %add3A_33 : vector<128x512xf32>
    %mul3A_34 = arith.constant 0.707106769 : f32
    %mul3A_35 = vector.broadcast %mul3A_34 : f32 to vector<128x512xf32>
    %mul3A_36 = arith.mulf %rsqrt3A, %mul3A_35 : vector<128x512xf32>
    %broadcast_in_dim3A = vector.shape_cast %get3A_9 : vector<128x128xf32> to vector<128x128x1xf32>
    %broadcast_in_dim3A_37 = vector.shape_cast %get3A_17 : vector<128x512xf32> to vector<1x128x512xf32>
    %add3A_38 = vector.broadcast %broadcast_in_dim3A : vector<128x128x1xf32> to vector<128x128x512xf32>
    %add3A_39 = vector.broadcast %broadcast_in_dim3A_37 : vector<1x128x512xf32> to vector<128x128x512xf32>
    %add3A_40 = arith.addf %add3A_38, %add3A_39 : vector<128x128x512xf32>
    %broadcast_in_dim3A_41 = vector.shape_cast %mul3A_36 : vector<128x512xf32> to vector<128x1x512xf32>
    %mul3A_42 = vector.broadcast %broadcast_in_dim3A_41 : vector<128x1x512xf32> to vector<128x128x512xf32>
    %mul3A_43 = arith.mulf %add3A_40, %mul3A_42 : vector<128x128x512xf32>
    %get3A_44 = arith.constant 0 : index
    %get3A_45 = arith.constant 0 : index
    %get3A_46 = vector.load %arg28[%get3A_44, %get3A_45] : memref<128x512xf32, #tpu.memory_space<vmem>>, vector<128x512xf32>
    %broadcast_in_dim3A_47 = vector.shape_cast %get3A_46 : vector<128x512xf32> to vector<1x128x512xf32>
    %add3A_48 = vector.broadcast %broadcast_in_dim3A_47 : vector<1x128x512xf32> to vector<128x128x512xf32>
    %add3A_49 = arith.addf %mul3A_43, %add3A_48 : vector<128x128x512xf32>
    %erf3A = math.erf %add3A_49 : vector<128x128x512xf32>
    %mul3A_50 = arith.mulf %add3A_49, %erf3A : vector<128x128x512xf32>
    %add3A_51 = arith.addf %add3A_49, %mul3A_50 : vector<128x128x512xf32>
    %get3A_52 = arith.constant 0 : index
    %get3A_53 = arith.constant 0 : index
    %get3A_54 = vector.load %arg19[%get3A_52, %get3A_53] : memref<1x128xf32, #tpu.memory_space<vmem>>, vector<1x128xf32>
    %slice3A = vector.extract_strided_slice %add3A_51 {offsets = [0, 0, 0], sizes = [1, 128, 512], strides = [1, 1, 1]} : vector<128x128x512xf32> to vector<1x128x512xf32>
    %squeeze3A = vector.shape_cast %slice3A : vector<1x128x512xf32> to vector<128x512xf32>
    %dot_general3A_55 = arith.constant dense<0.000000e+00> : vector<1x512xf32>
    %dot_general3A_56 = tpu.matmul %get3A_54, %squeeze3A, %dot_general3A_55 {dimension_numbers = #tpu.dot_dimension_numbers<[1], [0], [0], [1], [0, 0, 1, 1], [], []>, transpose_lhs_hint = false} : vector<1x128xf32>, vector<128x512xf32>, vector<1x512xf32> -> vector<1x512xf32>
    %slice3A_57 = vector.extract_strided_slice %add3A_51 {offsets = [1, 0, 0], sizes = [1, 128, 512], strides = [1, 1, 1]} : vector<128x128x512xf32> to vector<1x128x512xf32>
    %squeeze3A_58 = vector.shape_cast %slice3A_57 : vector<1x128x512xf32> to vector<128x512xf32>
    %dot_general3A_59 = arith.constant dense<0.000000e+00> : vector<1x512xf32>
    %dot_general3A_60 = tpu.matmul %get3A_54, %squeeze3A_58, %dot_general3A_59 {dimension_numbers = #tpu.dot_dimension_numbers<[1], [0], [0], [1], [0, 0, 1, 1], [], []>, transpose_lhs_hint = false} : vector<1x128xf32>, vector<128x512xf32>, vector<1x512xf32> -> vector<1x512xf32>
    %slice3A_61 = vector.extract_strided_slice %add3A_51 {offsets = [2, 0, 0], sizes = [1, 128, 512], strides = [1, 1, 1]} : vector<128x128x512xf32> to vector<1x128x512xf32>
    %squeeze3A_62 = vector.shape_cast %slice3A_61 : vector<1x128x512xf32> to vector<128x512xf32>
    %dot_general3A_63 = arith.constant dense<0.000000e+00> : vector<1x512xf32>
    %dot_general3A_64 = tpu.matmul %get3A_54, %squeeze3A_62, %dot_general3A_63 {dimension_numbers = #tpu.dot_dimension_numbers<[1], [0], [0], [1], [0, 0, 1, 1], [], []>, transpose_lhs_hint = false} : vector<1x128xf32>, vector<128x512xf32>, vector<1x512xf32> -> vector<1x512xf32>
    %slice3A_65 = vector.extract_strided_slice %add3A_51 {offsets = [3, 0, 0], sizes = [1, 128, 512], strides = [1, 1, 1]} : vector<128x128x512xf32> to vector<1x128x512xf32>
    %squeeze3A_66 = vector.shape_cast %slice3A_65 : vector<1x128x512xf32> to vector<128x512xf32>
    %dot_general3A_67 = arith.constant dense<0.000000e+00> : vector<1x512xf32>
    %dot_general3A_68 = tpu.matmul %get3A_54, %squeeze3A_66, %dot_general3A_67 {dimension_numbers = #tpu.dot_dimension_numbers<[1], [0], [0], [1], [0, 0, 1, 1], [], []>, transpose_lhs_hint = false} : vector<1x128xf32>, vector<128x512xf32>, vector<1x512xf32> -> vector<1x512xf32>
    %slice3A_69 = vector.extract_strided_slice %add3A_51 {offsets = [4, 0, 0], sizes = [1, 128, 512], strides = [1, 1, 1]} : vector<128x128x512xf32> to vector<1x128x512xf32>
    %squeeze3A_70 = vector.shape_cast %slice3A_69 : vector<1x128x512xf32> to vector<128x512xf32>
    %dot_general3A_71 = arith.constant dense<0.000000e+00> : vector<1x512xf32>
    %dot_general3A_72 = tpu.matmul %get3A_54, %squeeze3A_70, %dot_general3A_71 {dimension_numbers = #tpu.dot_dimension_numbers<[1], [0], [0], [1], [0, 0, 1, 1], [], []>, transpose_lhs_hint = false} : vector<1x128xf32>, vector<128x512xf32>, vector<1x512xf32> -> vector<1x512xf32>
    %slice3A_73 = vector.extract_strided_slice %add3A_51 {offsets = [5, 0, 0], sizes = [1, 128, 512], strides = [1, 1, 1]} : vector<128x128x512xf32> to vector<1x128x512xf32>
    %squeeze3A_74 = vector.shape_cast %slice3A_73 : vector<1x128x512xf32> to vector<128x512xf32>
    %dot_general3A_75 = arith.constant dense<0.000000e+00> : vector<1x512xf32>
    %dot_general3A_76 = tpu.matmul %get3A_54, %squeeze3A_74, %dot_general3A_75 {dimension_numbers = #tpu.dot_dimension_numbers<[1], [0], [0], [1], [0, 0, 1, 1], [], []>, transpose_lhs_hint = false} : vector<1x128xf32>, vector<128x512xf32>, vector<1x512xf32> -> vector<1x512xf32>
    %slice3A_77 = vector.extract_strided_slice %add3A_51 {offsets = [6, 0, 0], sizes = [1, 128, 512], strides = [1, 1, 1]} : vector<128x128x512xf32> to vector<1x128x512xf32>
    %squeeze3A_78 = vector.shape_cast %slice3A_77 : vector<1x128x512xf32> to vector<128x512xf32>
    %dot_general3A_79 = arith.constant dense<0.000000e+00> : vector<1x512xf32>
    %dot_general3A_80 = tpu.matmul %get3A_54, %squeeze3A_78, %dot_general3A_79 {dimension_numbers = #tpu.dot_dimension_numbers<[1], [0], [0], [1], [0, 0, 1, 1], [], []>, transpose_lhs_hint = false} : vector<1x128xf32>, vector<128x512xf32>, vector<1x512xf32> -> vector<1x512xf32>
    %slice3A_81 = vector.extract_strided_slice %add3A_51 {offsets = [7, 0, 0], sizes = [1, 128, 512], strides = [1, 1, 1]} : vector<128x128x512xf32> to vector<1x128x512xf32>
    %squeeze3A_82 = vector.shape_cast %slice3A_81 : vector<1x128x512xf32> to vector<128x512xf32>
    %dot_general3A_83 = arith.constant dense<0.000000e+00> : vector<1x512xf32>
    %dot_general3A_84 = tpu.matmul %get3A_54, %squeeze3A_82, %dot_general3A_83 {dimension_numbers = #tpu.dot_dimension_numbers<[1], [0], [0], [1], [0, 0, 1, 1], [], []>, transpose_lhs_hint = false} : vector<1x128xf32>, vector<128x512xf32>, vector<1x512xf32> -> vector<1x512xf32>
    %slice3A_85 = vector.extract_strided_slice %add3A_51 {offsets = [8, 0, 0], sizes = [1, 128, 512], strides = [1, 1, 1]} : vector<128x128x512xf32> to vector<1x128x512xf32>
    %squeeze3A_86 = vector.shape_cast %slice3A_85 : vector<1x128x512xf32> to vector<128x512xf32>
    %dot_general3A_87 = arith.constant dense<0.000000e+00> : vector<1x512xf32>
    %dot_general3A_88 = tpu.matmul %get3A_54, %squeeze3A_86, %dot_general3A_87 {dimension_numbers = #tpu.dot_dimension_numbers<[1], [0], [0], [1], [0, 0, 1, 1], [], []>, transpose_lhs_hint = false} : vector<1x128xf32>, vector<128x512xf32>, vector<1x512xf32> -> vector<1x512xf32>
    %slice3A_89 = vector.extract_strided_slice %add3A_51 {offsets = [9, 0, 0], sizes = [1, 128, 512], strides = [1, 1, 1]} : vector<128x128x512xf32> to vector<1x128x512xf32>
    %squeeze3A_90 = vector.shape_cast %slice3A_89 : vector<1x128x512xf32> to vector<128x512xf32>
    %dot_general3A_91 = arith.constant dense<0.000000e+00> : vector<1x512xf32>
    %dot_general3A_92 = tpu.matmul %get3A_54, %squeeze3A_90, %dot_general3A_91 {dimension_numbers = #tpu.dot_dimension_numbers<[1], [0], [0], [1], [0, 0, 1, 1], [], []>, transpose_lhs_hint = false} : vector<1x128xf32>, vector<128x512xf32>, vector<1x512xf32> -> vector<1x512xf32>
    %slice3A_93 = vector.extract_strided_slice %add3A_51 {offsets = [10, 0, 0], sizes = [1, 128, 512], strides = [1, 1, 1]} : vector<128x128x512xf32> to vector<1x128x512xf32>
    %squeeze3A_94 = vector.shape_cast %slice3A_93 : vector<1x128x512xf32> to vector<128x512xf32>
    %dot_general3A_95 = arith.constant dense<0.000000e+00> : vector<1x512xf32>
    %dot_general3A_96 = tpu.matmul %get3A_54, %squeeze3A_94, %dot_general3A_95 {dimension_numbers = #tpu.dot_dimension_numbers<[1], [0], [0], [1], [0, 0, 1, 1], [], []>, transpose_lhs_hint = false} : vector<1x128xf32>, vector<128x512xf32>, vector<1x512xf32> -> vector<1x512xf32>
    %slice3A_97 = vector.extract_strided_slice %add3A_51 {offsets = [11, 0, 0], sizes = [1, 128, 512], strides = [1, 1, 1]} : vector<128x128x512xf32> to vector<1x128x512xf32>
    %squeeze3A_98 = vector.shape_cast %slice3A_97 : vector<1x128x512xf32> to vector<128x512xf32>
    %dot_general3A_99 = arith.constant dense<0.000000e+00> : vector<1x512xf32>
    %dot_general3A_100 = tpu.matmul %get3A_54, %squeeze3A_98, %dot_general3A_99 {dimension_numbers = #tpu.dot_dimension_numbers<[1], [0], [0], [1], [0, 0, 1, 1], [], []>, transpose_lhs_hint = false} : vector<1x128xf32>, vector<128x512xf32>, vector<1x512xf32> -> vector<1x512xf32>
    %slice3A_101 = vector.extract_strided_slice %add3A_51 {offsets = [12, 0, 0], sizes = [1, 128, 512], strides = [1, 1, 1]} : vector<128x128x512xf32> to vector<1x128x512xf32>
    %squeeze3A_102 = vector.shape_cast %slice3A_101 : vector<1x128x512xf32> to vector<128x512xf32>
    %dot_general3A_103 = arith.constant dense<0.000000e+00> : vector<1x512xf32>
    %dot_general3A_104 = tpu.matmul %get3A_54, %squeeze3A_102, %dot_general3A_103 {dimension_numbers = #tpu.dot_dimension_numbers<[1], [0], [0], [1], [0, 0, 1, 1], [], []>, transpose_lhs_hint = false} : vector<1x128xf32>, vector<128x512xf32>, vector<1x512xf32> -> vector<1x512xf32>
    %slice3A_105 = vector.extract_strided_slice %add3A_51 {offsets = [13, 0, 0], sizes = [1, 128, 512], strides = [1, 1, 1]} : vector<128x128x512xf32> to vector<1x128x512xf32>
    %squeeze3A_106 = vector.shape_cast %slice3A_105 : vector<1x128x512xf32> to vector<128x512xf32>
    %dot_general3A_107 = arith.constant dense<0.000000e+00> : vector<1x512xf32>
    %dot_general3A_108 = tpu.matmul %get3A_54, %squeeze3A_106, %dot_general3A_107 {dimension_numbers = #tpu.dot_dimension_numbers<[1], [0], [0], [1], [0, 0, 1, 1], [], []>, transpose_lhs_hint = false} : vector<1x128xf32>, vector<128x512xf32>, vector<1x512xf32> -> vector<1x512xf32>
    %slice3A_109 = vector.extract_strided_slice %add3A_51 {offsets = [14, 0, 0], sizes = [1, 128, 512], strides = [1, 1, 1]} : vector<128x128x512xf32> to vector<1x128x512xf32>
    %squeeze3A_110 = vector.shape_cast %slice3A_109 : vector<1x128x512xf32> to vector<128x512xf32>
    %dot_general3A_111 = arith.constant dense<0.000000e+00> : vector<1x512xf32>
    %dot_general3A_112 = tpu.matmul %get3A_54, %squeeze3A_110, %dot_general3A_111 {dimension_numbers = #tpu.dot_dimension_numbers<[1], [0], [0], [1], [0, 0, 1, 1], [], []>, transpose_lhs_hint = false} : vector<1x128xf32>, vector<128x512xf32>, vector<1x512xf32> -> vector<1x512xf32>
    %slice3A_113 = vector.extract_strided_slice %add3A_51 {offsets = [15, 0, 0], sizes = [1, 128, 512], strides = [1, 1, 1]} : vector<128x128x512xf32> to vector<1x128x512xf32>
    %squeeze3A_114 = vector.shape_cast %slice3A_113 : vector<1x128x512xf32> to vector<128x512xf32>
    %dot_general3A_115 = arith.constant dense<0.000000e+00> : vector<1x512xf32>
    %dot_general3A_116 = tpu.matmul %get3A_54, %squeeze3A_114, %dot_general3A_115 {dimension_numbers = #tpu.dot_dimension_numbers<[1], [0], [0], [1], [0, 0, 1, 1], [], []>, transpose_lhs_hint = false} : vector<1x128xf32>, vector<128x512xf32>, vector<1x512xf32> -> vector<1x512xf32>
    %slice3A_117 = vector.extract_strided_slice %add3A_51 {offsets = [16, 0, 0], sizes = [1, 128, 512], strides = [1, 1, 1]} : vector<128x128x512xf32> to vector<1x128x512xf32>
    %squeeze3A_118 = vector.shape_cast %slice3A_117 : vector<1x128x512xf32> to vector<128x512xf32>
    %dot_general3A_119 = arith.constant dense<0.000000e+00> : vector<1x512xf32>
    %dot_general3A_120 = tpu.matmul %get3A_54, %squeeze3A_118, %dot_general3A_119 {dimension_numbers = #tpu.dot_dimension_numbers<[1], [0], [0], [1], [0, 0, 1, 1], [], []>, transpose_lhs_hint = false} : vector<1x128xf32>, vector<128x512xf32>, vector<1x512xf32> -> vector<1x512xf32>
    %slice3A_121 = vector.extract_strided_slice %add3A_51 {offsets = [17, 0, 0], sizes = [1, 128, 512], strides = [1, 1, 1]} : vector<128x128x512xf32> to vector<1x128x512xf32>
    %squeeze3A_122 = vector.shape_cast %slice3A_121 : vector<1x128x512xf32> to vector<128x512xf32>
    %dot_general3A_123 = arith.constant dense<0.000000e+00> : vector<1x512xf32>
    %dot_general3A_124 = tpu.matmul %get3A_54, %squeeze3A_122, %dot_general3A_123 {dimension_numbers = #tpu.dot_dimension_numbers<[1], [0], [0], [1], [0, 0, 1, 1], [], []>, transpose_lhs_hint = false} : vector<1x128xf32>, vector<128x512xf32>, vector<1x512xf32> -> vector<1x512xf32>
    %slice3A_125 = vector.extract_strided_slice %add3A_51 {offsets = [18, 0, 0], sizes = [1, 128, 512], strides = [1, 1, 1]} : vector<128x128x512xf32> to vector<1x128x512xf32>
    %squeeze3A_126 = vector.shape_cast %slice3A_125 : vector<1x128x512xf32> to vector<128x512xf32>
    %dot_general3A_127 = arith.constant dense<0.000000e+00> : vector<1x512xf32>
    %dot_general3A_128 = tpu.matmul %get3A_54, %squeeze3A_126, %dot_general3A_127 {dimension_numbers = #tpu.dot_dimension_numbers<[1], [0], [0], [1], [0, 0, 1, 1], [], []>, transpose_lhs_hint = false} : vector<1x128xf32>, vector<128x512xf32>, vector<1x512xf32> -> vector<1x512xf32>
    %slice3A_129 = vector.extract_strided_slice %add3A_51 {offsets = [19, 0, 0], sizes = [1, 128, 512], strides = [1, 1, 1]} : vector<128x128x512xf32> to vector<1x128x512xf32>
    %squeeze3A_130 = vector.shape_cast %slice3A_129 : vector<1x128x512xf32> to vector<128x512xf32>
    %dot_general3A_131 = arith.constant dense<0.000000e+00> : vector<1x512xf32>
    %dot_general3A_132 = tpu.matmul %get3A_54, %squeeze3A_130, %dot_general3A_131 {dimension_numbers = #tpu.dot_dimension_numbers<[1], [0], [0], [1], [0, 0, 1, 1], [], []>, transpose_lhs_hint = false} : vector<1x128xf32>, vector<128x512xf32>, vector<1x512xf32> -> vector<1x512xf32>
    %slice3A_133 = vector.extract_strided_slice %add3A_51 {offsets = [20, 0, 0], sizes = [1, 128, 512], strides = [1, 1, 1]} : vector<128x128x512xf32> to vector<1x128x512xf32>
    %squeeze3A_134 = vector.shape_cast %slice3A_133 : vector<1x128x512xf32> to vector<128x512xf32>
    %dot_general3A_135 = arith.constant dense<0.000000e+00> : vector<1x512xf32>
    %dot_general3A_136 = tpu.matmul %get3A_54, %squeeze3A_134, %dot_general3A_135 {dimension_numbers = #tpu.dot_dimension_numbers<[1], [0], [0], [1], [0, 0, 1, 1], [], []>, transpose_lhs_hint = false} : vector<1x128xf32>, vector<128x512xf32>, vector<1x512xf32> -> vector<1x512xf32>
    %slice3A_137 = vector.extract_strided_slice %add3A_51 {offsets = [21, 0, 0], sizes = [1, 128, 512], strides = [1, 1, 1]} : vector<128x128x512xf32> to vector<1x128x512xf32>
    %squeeze3A_138 = vector.shape_cast %slice3A_137 : vector<1x128x512xf32> to vector<128x512xf32>
    %dot_general3A_139 = arith.constant dense<0.000000e+00> : vector<1x512xf32>
    %dot_general3A_140 = tpu.matmul %get3A_54, %squeeze3A_138, %dot_general3A_139 {dimension_numbers = #tpu.dot_dimension_numbers<[1], [0], [0], [1], [0, 0, 1, 1], [], []>, transpose_lhs_hint = false} : vector<1x128xf32>, vector<128x512xf32>, vector<1x512xf32> -> vector<1x512xf32>
    %slice3A_141 = vector.extract_strided_slice %add3A_51 {offsets = [22, 0, 0], sizes = [1, 128, 512], strides = [1, 1, 1]} : vector<128x128x512xf32> to vector<1x128x512xf32>
    %squeeze3A_142 = vector.shape_cast %slice3A_141 : vector<1x128x512xf32> to vector<128x512xf32>
    %dot_general3A_143 = arith.constant dense<0.000000e+00> : vector<1x512xf32>
    %dot_general3A_144 = tpu.matmul %get3A_54, %squeeze3A_142, %dot_general3A_143 {dimension_numbers = #tpu.dot_dimension_numbers<[1], [0], [0], [1], [0, 0, 1, 1], [], []>, transpose_lhs_hint = false} : vector<1x128xf32>, vector<128x512xf32>, vector<1x512xf32> -> vector<1x512xf32>
    %slice3A_145 = vector.extract_strided_slice %add3A_51 {offsets = [23, 0, 0], sizes = [1, 128, 512], strides = [1, 1, 1]} : vector<128x128x512xf32> to vector<1x128x512xf32>
    %squeeze3A_146 = vector.shape_cast %slice3A_145 : vector<1x128x512xf32> to vector<128x512xf32>
    %dot_general3A_147 = arith.constant dense<0.000000e+00> : vector<1x512xf32>
    %dot_general3A_148 = tpu.matmul %get3A_54, %squeeze3A_146, %dot_general3A_147 {dimension_numbers = #tpu.dot_dimension_numbers<[1], [0], [0], [1], [0, 0, 1, 1], [], []>, transpose_lhs_hint = false} : vector<1x128xf32>, vector<128x512xf32>, vector<1x512xf32> -> vector<1x512xf32>
    %slice3A_149 = vector.extract_strided_slice %add3A_51 {offsets = [24, 0, 0], sizes = [1, 128, 512], strides = [1, 1, 1]} : vector<128x128x512xf32> to vector<1x128x512xf32>
    %squeeze3A_150 = vector.shape_cast %slice3A_149 : vector<1x128x512xf32> to vector<128x512xf32>
    %dot_general3A_151 = arith.constant dense<0.000000e+00> : vector<1x512xf32>
    %dot_general3A_152 = tpu.matmul %get3A_54, %squeeze3A_150, %dot_general3A_151 {dimension_numbers = #tpu.dot_dimension_numbers<[1], [0], [0], [1], [0, 0, 1, 1], [], []>, transpose_lhs_hint = false} : vector<1x128xf32>, vector<128x512xf32>, vector<1x512xf32> -> vector<1x512xf32>
    %slice3A_153 = vector.extract_strided_slice %add3A_51 {offsets = [25, 0, 0], sizes = [1, 128, 512], strides = [1, 1, 1]} : vector<128x128x512xf32> to vector<1x128x512xf32>
    %squeeze3A_154 = vector.shape_cast %slice3A_153 : vector<1x128x512xf32> to vector<128x512xf32>
    %dot_general3A_155 = arith.constant dense<0.000000e+00> : vector<1x512xf32>
    %dot_general3A_156 = tpu.matmul %get3A_54, %squeeze3A_154, %dot_general3A_155 {dimension_numbers = #tpu.dot_dimension_numbers<[1], [0], [0], [1], [0, 0, 1, 1], [], []>, transpose_lhs_hint = false} : vector<1x128xf32>, vector<128x512xf32>, vector<1x512xf32> -> vector<1x512xf32>
    %slice3A_157 = vector.extract_strided_slice %add3A_51 {offsets = [26, 0, 0], sizes = [1, 128, 512], strides = [1, 1, 1]} : vector<128x128x512xf32> to vector<1x128x512xf32>
    %squeeze3A_158 = vector.shape_cast %slice3A_157 : vector<1x128x512xf32> to vector<128x512xf32>
    %dot_general3A_159 = arith.constant dense<0.000000e+00> : vector<1x512xf32>
    %dot_general3A_160 = tpu.matmul %get3A_54, %squeeze3A_158, %dot_general3A_159 {dimension_numbers = #tpu.dot_dimension_numbers<[1], [0], [0], [1], [0, 0, 1, 1], [], []>, transpose_lhs_hint = false} : vector<1x128xf32>, vector<128x512xf32>, vector<1x512xf32> -> vector<1x512xf32>
    %slice3A_161 = vector.extract_strided_slice %add3A_51 {offsets = [27, 0, 0], sizes = [1, 128, 512], strides = [1, 1, 1]} : vector<128x128x512xf32> to vector<1x128x512xf32>
    %squeeze3A_162 = vector.shape_cast %slice3A_161 : vector<1x128x512xf32> to vector<128x512xf32>
    %dot_general3A_163 = arith.constant dense<0.000000e+00> : vector<1x512xf32>
    %dot_general3A_164 = tpu.matmul %get3A_54, %squeeze3A_162, %dot_general3A_163 {dimension_numbers = #tpu.dot_dimension_numbers<[1], [0], [0], [1], [0, 0, 1, 1], [], []>, transpose_lhs_hint = false} : vector<1x128xf32>, vector<128x512xf32>, vector<1x512xf32> -> vector<1x512xf32>
    %slice3A_165 = vector.extract_strided_slice %add3A_51 {offsets = [28, 0, 0], sizes = [1, 128, 512], strides = [1, 1, 1]} : vector<128x128x512xf32> to vector<1x128x512xf32>
    %squeeze3A_166 = vector.shape_cast %slice3A_165 : vector<1x128x512xf32> to vector<128x512xf32>
    %dot_general3A_167 = arith.constant dense<0.000000e+00> : vector<1x512xf32>
    %dot_general3A_168 = tpu.matmul %get3A_54, %squeeze3A_166, %dot_general3A_167 {dimension_numbers = #tpu.dot_dimension_numbers<[1], [0], [0], [1], [0, 0, 1, 1], [], []>, transpose_lhs_hint = false} : vector<1x128xf32>, vector<128x512xf32>, vector<1x512xf32> -> vector<1x512xf32>
    %slice3A_169 = vector.extract_strided_slice %add3A_51 {offsets = [29, 0, 0], sizes = [1, 128, 512], strides = [1, 1, 1]} : vector<128x128x512xf32> to vector<1x128x512xf32>
    %squeeze3A_170 = vector.shape_cast %slice3A_169 : vector<1x128x512xf32> to vector<128x512xf32>
    %dot_general3A_171 = arith.constant dense<0.000000e+00> : vector<1x512xf32>
    %dot_general3A_172 = tpu.matmul %get3A_54, %squeeze3A_170, %dot_general3A_171 {dimension_numbers = #tpu.dot_dimension_numbers<[1], [0], [0], [1], [0, 0, 1, 1], [], []>, transpose_lhs_hint = false} : vector<1x128xf32>, vector<128x512xf32>, vector<1x512xf32> -> vector<1x512xf32>
    %slice3A_173 = vector.extract_strided_slice %add3A_51 {offsets = [30, 0, 0], sizes = [1, 128, 512], strides = [1, 1, 1]} : vector<128x128x512xf32> to vector<1x128x512xf32>
    %squeeze3A_174 = vector.shape_cast %slice3A_173 : vector<1x128x512xf32> to vector<128x512xf32>
    %dot_general3A_175 = arith.constant dense<0.000000e+00> : vector<1x512xf32>
    %dot_general3A_176 = tpu.matmul %get3A_54, %squeeze3A_174, %dot_general3A_175 {dimension_numbers = #tpu.dot_dimension_numbers<[1], [0], [0], [1], [0, 0, 1, 1], [], []>, transpose_lhs_hint = false} : vector<1x128xf32>, vector<128x512xf32>, vector<1x512xf32> -> vector<1x512xf32>
    %slice3A_177 = vector.extract_strided_slice %add3A_51 {offsets = [31, 0, 0], sizes = [1, 128, 512], strides = [1, 1, 1]} : vector<128x128x512xf32> to vector<1x128x512xf32>
    %squeeze3A_178 = vector.shape_cast %slice3A_177 : vector<1x128x512xf32> to vector<128x512xf32>
    %dot_general3A_179 = arith.constant dense<0.000000e+00> : vector<1x512xf32>
    %dot_general3A_180 = tpu.matmul %get3A_54, %squeeze3A_178, %dot_general3A_179 {dimension_numbers = #tpu.dot_dimension_numbers<[1], [0], [0], [1], [0, 0, 1, 1], [], []>, transpose_lhs_hint = false} : vector<1x128xf32>, vector<128x512xf32>, vector<1x512xf32> -> vector<1x512xf32>
    %slice3A_181 = vector.extract_strided_slice %add3A_51 {offsets = [32, 0, 0], sizes = [1, 128, 512], strides = [1, 1, 1]} : vector<128x128x512xf32> to vector<1x128x512xf32>
    %squeeze3A_182 = vector.shape_cast %slice3A_181 : vector<1x128x512xf32> to vector<128x512xf32>
    %dot_general3A_183 = arith.constant dense<0.000000e+00> : vector<1x512xf32>
    %dot_general3A_184 = tpu.matmul %get3A_54, %squeeze3A_182, %dot_general3A_183 {dimension_numbers = #tpu.dot_dimension_numbers<[1], [0], [0], [1], [0, 0, 1, 1], [], []>, transpose_lhs_hint = false} : vector<1x128xf32>, vector<128x512xf32>, vector<1x512xf32> -> vector<1x512xf32>
    %slice3A_185 = vector.extract_strided_slice %add3A_51 {offsets = [33, 0, 0], sizes = [1, 128, 512], strides = [1, 1, 1]} : vector<128x128x512xf32> to vector<1x128x512xf32>
    %squeeze3A_186 = vector.shape_cast %slice3A_185 : vector<1x128x512xf32> to vector<128x512xf32>
    %dot_general3A_187 = arith.constant dense<0.000000e+00> : vector<1x512xf32>
    %dot_general3A_188 = tpu.matmul %get3A_54, %squeeze3A_186, %dot_general3A_187 {dimension_numbers = #tpu.dot_dimension_numbers<[1], [0], [0], [1], [0, 0, 1, 1], [], []>, transpose_lhs_hint = false} : vector<1x128xf32>, vector<128x512xf32>, vector<1x512xf32> -> vector<1x512xf32>
    %slice3A_189 = vector.extract_strided_slice %add3A_51 {offsets = [34, 0, 0], sizes = [1, 128, 512], strides = [1, 1, 1]} : vector<128x128x512xf32> to vector<1x128x512xf32>
    %squeeze3A_190 = vector.shape_cast %slice3A_189 : vector<1x128x512xf32> to vector<128x512xf32>
    %dot_general3A_191 = arith.constant dense<0.000000e+00> : vector<1x512xf32>
    %dot_general3A_192 = tpu.matmul %get3A_54, %squeeze3A_190, %dot_general3A_191 {dimension_numbers = #tpu.dot_dimension_numbers<[1], [0], [0], [1], [0, 0, 1, 1], [], []>, transpose_lhs_hint = false} : vector<1x128xf32>, vector<128x512xf32>, vector<1x512xf32> -> vector<1x512xf32>
    %slice3A_193 = vector.extract_strided_slice %add3A_51 {offsets = [35, 0, 0], sizes = [1, 128, 512], strides = [1, 1, 1]} : vector<128x128x512xf32> to vector<1x128x512xf32>
    %squeeze3A_194 = vector.shape_cast %slice3A_193 : vector<1x128x512xf32> to vector<128x512xf32>
    %dot_general3A_195 = arith.constant dense<0.000000e+00> : vector<1x512xf32>
    %dot_general3A_196 = tpu.matmul %get3A_54, %squeeze3A_194, %dot_general3A_195 {dimension_numbers = #tpu.dot_dimension_numbers<[1], [0], [0], [1], [0, 0, 1, 1], [], []>, transpose_lhs_hint = false} : vector<1x128xf32>, vector<128x512xf32>, vector<1x512xf32> -> vector<1x512xf32>
    %slice3A_197 = vector.extract_strided_slice %add3A_51 {offsets = [36, 0, 0], sizes = [1, 128, 512], strides = [1, 1, 1]} : vector<128x128x512xf32> to vector<1x128x512xf32>
    %squeeze3A_198 = vector.shape_cast %slice3A_197 : vector<1x128x512xf32> to vector<128x512xf32>
    %dot_general3A_199 = arith.constant dense<0.000000e+00> : vector<1x512xf32>
    %dot_general3A_200 = tpu.matmul %get3A_54, %squeeze3A_198, %dot_general3A_199 {dimension_numbers = #tpu.dot_dimension_numbers<[1], [0], [0], [1], [0, 0, 1, 1], [], []>, transpose_lhs_hint = false} : vector<1x128xf32>, vector<128x512xf32>, vector<1x512xf32> -> vector<1x512xf32>
    %slice3A_201 = vector.extract_strided_slice %add3A_51 {offsets = [37, 0, 0], sizes = [1, 128, 512], strides = [1, 1, 1]} : vector<128x128x512xf32> to vector<1x128x512xf32>
    %squeeze3A_202 = vector.shape_cast %slice3A_201 : vector<1x128x512xf32> to vector<128x512xf32>
    %dot_general3A_203 = arith.constant dense<0.000000e+00> : vector<1x512xf32>
    %dot_general3A_204 = tpu.matmul %get3A_54, %squeeze3A_202, %dot_general3A_203 {dimension_numbers = #tpu.dot_dimension_numbers<[1], [0], [0], [1], [0, 0, 1, 1], [], []>, transpose_lhs_hint = false} : vector<1x128xf32>, vector<128x512xf32>, vector<1x512xf32> -> vector<1x512xf32>
    %slice3A_205 = vector.extract_strided_slice %add3A_51 {offsets = [38, 0, 0], sizes = [1, 128, 512], strides = [1, 1, 1]} : vector<128x128x512xf32> to vector<1x128x512xf32>
    %squeeze3A_206 = vector.shape_cast %slice3A_205 : vector<1x128x512xf32> to vector<128x512xf32>
    %dot_general3A_207 = arith.constant dense<0.000000e+00> : vector<1x512xf32>
    %dot_general3A_208 = tpu.matmul %get3A_54, %squeeze3A_206, %dot_general3A_207 {dimension_numbers = #tpu.dot_dimension_numbers<[1], [0], [0], [1], [0, 0, 1, 1], [], []>, transpose_lhs_hint = false} : vector<1x128xf32>, vector<128x512xf32>, vector<1x512xf32> -> vector<1x512xf32>
    %slice3A_209 = vector.extract_strided_slice %add3A_51 {offsets = [39, 0, 0], sizes = [1, 128, 512], strides = [1, 1, 1]} : vector<128x128x512xf32> to vector<1x128x512xf32>
    %squeeze3A_210 = vector.shape_cast %slice3A_209 : vector<1x128x512xf32> to vector<128x512xf32>
    %dot_general3A_211 = arith.constant dense<0.000000e+00> : vector<1x512xf32>
    %dot_general3A_212 = tpu.matmul %get3A_54, %squeeze3A_210, %dot_general3A_211 {dimension_numbers = #tpu.dot_dimension_numbers<[1], [0], [0], [1], [0, 0, 1, 1], [], []>, transpose_lhs_hint = false} : vector<1x128xf32>, vector<128x512xf32>, vector<1x512xf32> -> vector<1x512xf32>
    %slice3A_213 = vector.extract_strided_slice %add3A_51 {offsets = [40, 0, 0], sizes = [1, 128, 512], strides = [1, 1, 1]} : vector<128x128x512xf32> to vector<1x128x512xf32>
    %squeeze3A_214 = vector.shape_cast %slice3A_213 : vector<1x128x512xf32> to vector<128x512xf32>
    %dot_general3A_215 = arith.constant dense<0.000000e+00> : vector<1x512xf32>
    %dot_general3A_216 = tpu.matmul %get3A_54, %squeeze3A_214, %dot_general3A_215 {dimension_numbers = #tpu.dot_dimension_numbers<[1], [0], [0], [1], [0, 0, 1, 1], [], []>, transpose_lhs_hint = false} : vector<1x128xf32>, vector<128x512xf32>, vector<1x512xf32> -> vector<1x512xf32>
    %slice3A_217 = vector.extract_strided_slice %add3A_51 {offsets = [41, 0, 0], sizes = [1, 128, 512], strides = [1, 1, 1]} : vector<128x128x512xf32> to vector<1x128x512xf32>
    %squeeze3A_218 = vector.shape_cast %slice3A_217 : vector<1x128x512xf32> to vector<128x512xf32>
    %dot_general3A_219 = arith.constant dense<0.000000e+00> : vector<1x512xf32>
    %dot_general3A_220 = tpu.matmul %get3A_54, %squeeze3A_218, %dot_general3A_219 {dimension_numbers = #tpu.dot_dimension_numbers<[1], [0], [0], [1], [0, 0, 1, 1], [], []>, transpose_lhs_hint = false} : vector<1x128xf32>, vector<128x512xf32>, vector<1x512xf32> -> vector<1x512xf32>
    %slice3A_221 = vector.extract_strided_slice %add3A_51 {offsets = [42, 0, 0], sizes = [1, 128, 512], strides = [1, 1, 1]} : vector<128x128x512xf32> to vector<1x128x512xf32>
    %squeeze3A_222 = vector.shape_cast %slice3A_221 : vector<1x128x512xf32> to vector<128x512xf32>
    %dot_general3A_223 = arith.constant dense<0.000000e+00> : vector<1x512xf32>
    %dot_general3A_224 = tpu.matmul %get3A_54, %squeeze3A_222, %dot_general3A_223 {dimension_numbers = #tpu.dot_dimension_numbers<[1], [0], [0], [1], [0, 0, 1, 1], [], []>, transpose_lhs_hint = false} : vector<1x128xf32>, vector<128x512xf32>, vector<1x512xf32> -> vector<1x512xf32>
    %slice3A_225 = vector.extract_strided_slice %add3A_51 {offsets = [43, 0, 0], sizes = [1, 128, 512], strides = [1, 1, 1]} : vector<128x128x512xf32> to vector<1x128x512xf32>
    %squeeze3A_226 = vector.shape_cast %slice3A_225 : vector<1x128x512xf32> to vector<128x512xf32>
    %dot_general3A_227 = arith.constant dense<0.000000e+00> : vector<1x512xf32>
    %dot_general3A_228 = tpu.matmul %get3A_54, %squeeze3A_226, %dot_general3A_227 {dimension_numbers = #tpu.dot_dimension_numbers<[1], [0], [0], [1], [0, 0, 1, 1], [], []>, transpose_lhs_hint = false} : vector<1x128xf32>, vector<128x512xf32>, vector<1x512xf32> -> vector<1x512xf32>
    %slice3A_229 = vector.extract_strided_slice %add3A_51 {offsets = [44, 0, 0], sizes = [1, 128, 512], strides = [1, 1, 1]} : vector<128x128x512xf32> to vector<1x128x512xf32>
    %squeeze3A_230 = vector.shape_cast %slice3A_229 : vector<1x128x512xf32> to vector<128x512xf32>
    %dot_general3A_231 = arith.constant dense<0.000000e+00> : vector<1x512xf32>
    %dot_general3A_232 = tpu.matmul %get3A_54, %squeeze3A_230, %dot_general3A_231 {dimension_numbers = #tpu.dot_dimension_numbers<[1], [0], [0], [1], [0, 0, 1, 1], [], []>, transpose_lhs_hint = false} : vector<1x128xf32>, vector<128x512xf32>, vector<1x512xf32> -> vector<1x512xf32>
    %slice3A_233 = vector.extract_strided_slice %add3A_51 {offsets = [45, 0, 0], sizes = [1, 128, 512], strides = [1, 1, 1]} : vector<128x128x512xf32> to vector<1x128x512xf32>
    %squeeze3A_234 = vector.shape_cast %slice3A_233 : vector<1x128x512xf32> to vector<128x512xf32>
    %dot_general3A_235 = arith.constant dense<0.000000e+00> : vector<1x512xf32>
    %dot_general3A_236 = tpu.matmul %get3A_54, %squeeze3A_234, %dot_general3A_235 {dimension_numbers = #tpu.dot_dimension_numbers<[1], [0], [0], [1], [0, 0, 1, 1], [], []>, transpose_lhs_hint = false} : vector<1x128xf32>, vector<128x512xf32>, vector<1x512xf32> -> vector<1x512xf32>
    %slice3A_237 = vector.extract_strided_slice %add3A_51 {offsets = [46, 0, 0], sizes = [1, 128, 512], strides = [1, 1, 1]} : vector<128x128x512xf32> to vector<1x128x512xf32>
    %squeeze3A_238 = vector.shape_cast %slice3A_237 : vector<1x128x512xf32> to vector<128x512xf32>
    %dot_general3A_239 = arith.constant dense<0.000000e+00> : vector<1x512xf32>
    %dot_general3A_240 = tpu.matmul %get3A_54, %squeeze3A_238, %dot_general3A_239 {dimension_numbers = #tpu.dot_dimension_numbers<[1], [0], [0], [1], [0, 0, 1, 1], [], []>, transpose_lhs_hint = false} : vector<1x128xf32>, vector<128x512xf32>, vector<1x512xf32> -> vector<1x512xf32>
    %slice3A_241 = vector.extract_strided_slice %add3A_51 {offsets = [47, 0, 0], sizes = [1, 128, 512], strides = [1, 1, 1]} : vector<128x128x512xf32> to vector<1x128x512xf32>
    %squeeze3A_242 = vector.shape_cast %slice3A_241 : vector<1x128x512xf32> to vector<128x512xf32>
    %dot_general3A_243 = arith.constant dense<0.000000e+00> : vector<1x512xf32>
    %dot_general3A_244 = tpu.matmul %get3A_54, %squeeze3A_242, %dot_general3A_243 {dimension_numbers = #tpu.dot_dimension_numbers<[1], [0], [0], [1], [0, 0, 1, 1], [], []>, transpose_lhs_hint = false} : vector<1x128xf32>, vector<128x512xf32>, vector<1x512xf32> -> vector<1x512xf32>
    %slice3A_245 = vector.extract_strided_slice %add3A_51 {offsets = [48, 0, 0], sizes = [1, 128, 512], strides = [1, 1, 1]} : vector<128x128x512xf32> to vector<1x128x512xf32>
    %squeeze3A_246 = vector.shape_cast %slice3A_245 : vector<1x128x512xf32> to vector<128x512xf32>
    %dot_general3A_247 = arith.constant dense<0.000000e+00> : vector<1x512xf32>
    %dot_general3A_248 = tpu.matmul %get3A_54, %squeeze3A_246, %dot_general3A_247 {dimension_numbers = #tpu.dot_dimension_numbers<[1], [0], [0], [1], [0, 0, 1, 1], [], []>, transpose_lhs_hint = false} : vector<1x128xf32>, vector<128x512xf32>, vector<1x512xf32> -> vector<1x512xf32>
    %slice3A_249 = vector.extract_strided_slice %add3A_51 {offsets = [49, 0, 0], sizes = [1, 128, 512], strides = [1, 1, 1]} : vector<128x128x512xf32> to vector<1x128x512xf32>
    %squeeze3A_250 = vector.shape_cast %slice3A_249 : vector<1x128x512xf32> to vector<128x512xf32>
    %dot_general3A_251 = arith.constant dense<0.000000e+00> : vector<1x512xf32>
    %dot_general3A_252 = tpu.matmul %get3A_54, %squeeze3A_250, %dot_general3A_251 {dimension_numbers = #tpu.dot_dimension_numbers<[1], [0], [0], [1], [0, 0, 1, 1], [], []>, transpose_lhs_hint = false} : vector<1x128xf32>, vector<128x512xf32>, vector<1x512xf32> -> vector<1x512xf32>
    %slice3A_253 = vector.extract_strided_slice %add3A_51 {offsets = [50, 0, 0], sizes = [1, 128, 512], strides = [1, 1, 1]} : vector<128x128x512xf32> to vector<1x128x512xf32>
    %squeeze3A_254 = vector.shape_cast %slice3A_253 : vector<1x128x512xf32> to vector<128x512xf32>
    %dot_general3A_255 = arith.constant dense<0.000000e+00> : vector<1x512xf32>
    %dot_general3A_256 = tpu.matmul %get3A_54, %squeeze3A_254, %dot_general3A_255 {dimension_numbers = #tpu.dot_dimension_numbers<[1], [0], [0], [1], [0, 0, 1, 1], [], []>, transpose_lhs_hint = false} : vector<1x128xf32>, vector<128x512xf32>, vector<1x512xf32> -> vector<1x512xf32>
    %slice3A_257 = vector.extract_strided_slice %add3A_51 {offsets = [51, 0, 0], sizes = [1, 128, 512], strides = [1, 1, 1]} : vector<128x128x512xf32> to vector<1x128x512xf32>
    %squeeze3A_258 = vector.shape_cast %slice3A_257 : vector<1x128x512xf32> to vector<128x512xf32>
    %dot_general3A_259 = arith.constant dense<0.000000e+00> : vector<1x512xf32>
    %dot_general3A_260 = tpu.matmul %get3A_54, %squeeze3A_258, %dot_general3A_259 {dimension_numbers = #tpu.dot_dimension_numbers<[1], [0], [0], [1], [0, 0, 1, 1], [], []>, transpose_lhs_hint = false} : vector<1x128xf32>, vector<128x512xf32>, vector<1x512xf32> -> vector<1x512xf32>
    %slice3A_261 = vector.extract_strided_slice %add3A_51 {offsets = [52, 0, 0], sizes = [1, 128, 512], strides = [1, 1, 1]} : vector<128x128x512xf32> to vector<1x128x512xf32>
    %squeeze3A_262 = vector.shape_cast %slice3A_261 : vector<1x128x512xf32> to vector<128x512xf32>
    %dot_general3A_263 = arith.constant dense<0.000000e+00> : vector<1x512xf32>
    %dot_general3A_264 = tpu.matmul %get3A_54, %squeeze3A_262, %dot_general3A_263 {dimension_numbers = #tpu.dot_dimension_numbers<[1], [0], [0], [1], [0, 0, 1, 1], [], []>, transpose_lhs_hint = false} : vector<1x128xf32>, vector<128x512xf32>, vector<1x512xf32> -> vector<1x512xf32>
    %slice3A_265 = vector.extract_strided_slice %add3A_51 {offsets = [53, 0, 0], sizes = [1, 128, 512], strides = [1, 1, 1]} : vector<128x128x512xf32> to vector<1x128x512xf32>
    %squeeze3A_266 = vector.shape_cast %slice3A_265 : vector<1x128x512xf32> to vector<128x512xf32>
    %dot_general3A_267 = arith.constant dense<0.000000e+00> : vector<1x512xf32>
    %dot_general3A_268 = tpu.matmul %get3A_54, %squeeze3A_266, %dot_general3A_267 {dimension_numbers = #tpu.dot_dimension_numbers<[1], [0], [0], [1], [0, 0, 1, 1], [], []>, transpose_lhs_hint = false} : vector<1x128xf32>, vector<128x512xf32>, vector<1x512xf32> -> vector<1x512xf32>
    %slice3A_269 = vector.extract_strided_slice %add3A_51 {offsets = [54, 0, 0], sizes = [1, 128, 512], strides = [1, 1, 1]} : vector<128x128x512xf32> to vector<1x128x512xf32>
    %squeeze3A_270 = vector.shape_cast %slice3A_269 : vector<1x128x512xf32> to vector<128x512xf32>
    %dot_general3A_271 = arith.constant dense<0.000000e+00> : vector<1x512xf32>
    %dot_general3A_272 = tpu.matmul %get3A_54, %squeeze3A_270, %dot_general3A_271 {dimension_numbers = #tpu.dot_dimension_numbers<[1], [0], [0], [1], [0, 0, 1, 1], [], []>, transpose_lhs_hint = false} : vector<1x128xf32>, vector<128x512xf32>, vector<1x512xf32> -> vector<1x512xf32>
    %slice3A_273 = vector.extract_strided_slice %add3A_51 {offsets = [55, 0, 0], sizes = [1, 128, 512], strides = [1, 1, 1]} : vector<128x128x512xf32> to vector<1x128x512xf32>
    %squeeze3A_274 = vector.shape_cast %slice3A_273 : vector<1x128x512xf32> to vector<128x512xf32>
    %dot_general3A_275 = arith.constant dense<0.000000e+00> : vector<1x512xf32>
    %dot_general3A_276 = tpu.matmul %get3A_54, %squeeze3A_274, %dot_general3A_275 {dimension_numbers = #tpu.dot_dimension_numbers<[1], [0], [0], [1], [0, 0, 1, 1], [], []>, transpose_lhs_hint = false} : vector<1x128xf32>, vector<128x512xf32>, vector<1x512xf32> -> vector<1x512xf32>
    %slice3A_277 = vector.extract_strided_slice %add3A_51 {offsets = [56, 0, 0], sizes = [1, 128, 512], strides = [1, 1, 1]} : vector<128x128x512xf32> to vector<1x128x512xf32>
    %squeeze3A_278 = vector.shape_cast %slice3A_277 : vector<1x128x512xf32> to vector<128x512xf32>
    %dot_general3A_279 = arith.constant dense<0.000000e+00> : vector<1x512xf32>
    %dot_general3A_280 = tpu.matmul %get3A_54, %squeeze3A_278, %dot_general3A_279 {dimension_numbers = #tpu.dot_dimension_numbers<[1], [0], [0], [1], [0, 0, 1, 1], [], []>, transpose_lhs_hint = false} : vector<1x128xf32>, vector<128x512xf32>, vector<1x512xf32> -> vector<1x512xf32>
    %slice3A_281 = vector.extract_strided_slice %add3A_51 {offsets = [57, 0, 0], sizes = [1, 128, 512], strides = [1, 1, 1]} : vector<128x128x512xf32> to vector<1x128x512xf32>
    %squeeze3A_282 = vector.shape_cast %slice3A_281 : vector<1x128x512xf32> to vector<128x512xf32>
    %dot_general3A_283 = arith.constant dense<0.000000e+00> : vector<1x512xf32>
    %dot_general3A_284 = tpu.matmul %get3A_54, %squeeze3A_282, %dot_general3A_283 {dimension_numbers = #tpu.dot_dimension_numbers<[1], [0], [0], [1], [0, 0, 1, 1], [], []>, transpose_lhs_hint = false} : vector<1x128xf32>, vector<128x512xf32>, vector<1x512xf32> -> vector<1x512xf32>
    %slice3A_285 = vector.extract_strided_slice %add3A_51 {offsets = [58, 0, 0], sizes = [1, 128, 512], strides = [1, 1, 1]} : vector<128x128x512xf32> to vector<1x128x512xf32>
    %squeeze3A_286 = vector.shape_cast %slice3A_285 : vector<1x128x512xf32> to vector<128x512xf32>
    %dot_general3A_287 = arith.constant dense<0.000000e+00> : vector<1x512xf32>
    %dot_general3A_288 = tpu.matmul %get3A_54, %squeeze3A_286, %dot_general3A_287 {dimension_numbers = #tpu.dot_dimension_numbers<[1], [0], [0], [1], [0, 0, 1, 1], [], []>, transpose_lhs_hint = false} : vector<1x128xf32>, vector<128x512xf32>, vector<1x512xf32> -> vector<1x512xf32>
    %slice3A_289 = vector.extract_strided_slice %add3A_51 {offsets = [59, 0, 0], sizes = [1, 128, 512], strides = [1, 1, 1]} : vector<128x128x512xf32> to vector<1x128x512xf32>
    %squeeze3A_290 = vector.shape_cast %slice3A_289 : vector<1x128x512xf32> to vector<128x512xf32>
    %dot_general3A_291 = arith.constant dense<0.000000e+00> : vector<1x512xf32>
    %dot_general3A_292 = tpu.matmul %get3A_54, %squeeze3A_290, %dot_general3A_291 {dimension_numbers = #tpu.dot_dimension_numbers<[1], [0], [0], [1], [0, 0, 1, 1], [], []>, transpose_lhs_hint = false} : vector<1x128xf32>, vector<128x512xf32>, vector<1x512xf32> -> vector<1x512xf32>
    %slice3A_293 = vector.extract_strided_slice %add3A_51 {offsets = [60, 0, 0], sizes = [1, 128, 512], strides = [1, 1, 1]} : vector<128x128x512xf32> to vector<1x128x512xf32>
    %squeeze3A_294 = vector.shape_cast %slice3A_293 : vector<1x128x512xf32> to vector<128x512xf32>
    %dot_general3A_295 = arith.constant dense<0.000000e+00> : vector<1x512xf32>
    %dot_general3A_296 = tpu.matmul %get3A_54, %squeeze3A_294, %dot_general3A_295 {dimension_numbers = #tpu.dot_dimension_numbers<[1], [0], [0], [1], [0, 0, 1, 1], [], []>, transpose_lhs_hint = false} : vector<1x128xf32>, vector<128x512xf32>, vector<1x512xf32> -> vector<1x512xf32>
    %slice3A_297 = vector.extract_strided_slice %add3A_51 {offsets = [61, 0, 0], sizes = [1, 128, 512], strides = [1, 1, 1]} : vector<128x128x512xf32> to vector<1x128x512xf32>
    %squeeze3A_298 = vector.shape_cast %slice3A_297 : vector<1x128x512xf32> to vector<128x512xf32>
    %dot_general3A_299 = arith.constant dense<0.000000e+00> : vector<1x512xf32>
    %dot_general3A_300 = tpu.matmul %get3A_54, %squeeze3A_298, %dot_general3A_299 {dimension_numbers = #tpu.dot_dimension_numbers<[1], [0], [0], [1], [0, 0, 1, 1], [], []>, transpose_lhs_hint = false} : vector<1x128xf32>, vector<128x512xf32>, vector<1x512xf32> -> vector<1x512xf32>
    %slice3A_301 = vector.extract_strided_slice %add3A_51 {offsets = [62, 0, 0], sizes = [1, 128, 512], strides = [1, 1, 1]} : vector<128x128x512xf32> to vector<1x128x512xf32>
    %squeeze3A_302 = vector.shape_cast %slice3A_301 : vector<1x128x512xf32> to vector<128x512xf32>
    %dot_general3A_303 = arith.constant dense<0.000000e+00> : vector<1x512xf32>
    %dot_general3A_304 = tpu.matmul %get3A_54, %squeeze3A_302, %dot_general3A_303 {dimension_numbers = #tpu.dot_dimension_numbers<[1], [0], [0], [1], [0, 0, 1, 1], [], []>, transpose_lhs_hint = false} : vector<1x128xf32>, vector<128x512xf32>, vector<1x512xf32> -> vector<1x512xf32>
    %slice3A_305 = vector.extract_strided_slice %add3A_51 {offsets = [63, 0, 0], sizes = [1, 128, 512], strides = [1, 1, 1]} : vector<128x128x512xf32> to vector<1x128x512xf32>
    %squeeze3A_306 = vector.shape_cast %slice3A_305 : vector<1x128x512xf32> to vector<128x512xf32>
    %dot_general3A_307 = arith.constant dense<0.000000e+00> : vector<1x512xf32>
    %dot_general3A_308 = tpu.matmul %get3A_54, %squeeze3A_306, %dot_general3A_307 {dimension_numbers = #tpu.dot_dimension_numbers<[1], [0], [0], [1], [0, 0, 1, 1], [], []>, transpose_lhs_hint = false} : vector<1x128xf32>, vector<128x512xf32>, vector<1x512xf32> -> vector<1x512xf32>
    %slice3A_309 = vector.extract_strided_slice %add3A_51 {offsets = [64, 0, 0], sizes = [1, 128, 512], strides = [1, 1, 1]} : vector<128x128x512xf32> to vector<1x128x512xf32>
    %squeeze3A_310 = vector.shape_cast %slice3A_309 : vector<1x128x512xf32> to vector<128x512xf32>
    %dot_general3A_311 = arith.constant dense<0.000000e+00> : vector<1x512xf32>
    %dot_general3A_312 = tpu.matmul %get3A_54, %squeeze3A_310, %dot_general3A_311 {dimension_numbers = #tpu.dot_dimension_numbers<[1], [0], [0], [1], [0, 0, 1, 1], [], []>, transpose_lhs_hint = false} : vector<1x128xf32>, vector<128x512xf32>, vector<1x512xf32> -> vector<1x512xf32>
    %slice3A_313 = vector.extract_strided_slice %add3A_51 {offsets = [65, 0, 0], sizes = [1, 128, 512], strides = [1, 1, 1]} : vector<128x128x512xf32> to vector<1x128x512xf32>
    %squeeze3A_314 = vector.shape_cast %slice3A_313 : vector<1x128x512xf32> to vector<128x512xf32>
    %dot_general3A_315 = arith.constant dense<0.000000e+00> : vector<1x512xf32>
    %dot_general3A_316 = tpu.matmul %get3A_54, %squeeze3A_314, %dot_general3A_315 {dimension_numbers = #tpu.dot_dimension_numbers<[1], [0], [0], [1], [0, 0, 1, 1], [], []>, transpose_lhs_hint = false} : vector<1x128xf32>, vector<128x512xf32>, vector<1x512xf32> -> vector<1x512xf32>
    %slice3A_317 = vector.extract_strided_slice %add3A_51 {offsets = [66, 0, 0], sizes = [1, 128, 512], strides = [1, 1, 1]} : vector<128x128x512xf32> to vector<1x128x512xf32>
    %squeeze3A_318 = vector.shape_cast %slice3A_317 : vector<1x128x512xf32> to vector<128x512xf32>
    %dot_general3A_319 = arith.constant dense<0.000000e+00> : vector<1x512xf32>
    %dot_general3A_320 = tpu.matmul %get3A_54, %squeeze3A_318, %dot_general3A_319 {dimension_numbers = #tpu.dot_dimension_numbers<[1], [0], [0], [1], [0, 0, 1, 1], [], []>, transpose_lhs_hint = false} : vector<1x128xf32>, vector<128x512xf32>, vector<1x512xf32> -> vector<1x512xf32>
    %slice3A_321 = vector.extract_strided_slice %add3A_51 {offsets = [67, 0, 0], sizes = [1, 128, 512], strides = [1, 1, 1]} : vector<128x128x512xf32> to vector<1x128x512xf32>
    %squeeze3A_322 = vector.shape_cast %slice3A_321 : vector<1x128x512xf32> to vector<128x512xf32>
    %dot_general3A_323 = arith.constant dense<0.000000e+00> : vector<1x512xf32>
    %dot_general3A_324 = tpu.matmul %get3A_54, %squeeze3A_322, %dot_general3A_323 {dimension_numbers = #tpu.dot_dimension_numbers<[1], [0], [0], [1], [0, 0, 1, 1], [], []>, transpose_lhs_hint = false} : vector<1x128xf32>, vector<128x512xf32>, vector<1x512xf32> -> vector<1x512xf32>
    %slice3A_325 = vector.extract_strided_slice %add3A_51 {offsets = [68, 0, 0], sizes = [1, 128, 512], strides = [1, 1, 1]} : vector<128x128x512xf32> to vector<1x128x512xf32>
    %squeeze3A_326 = vector.shape_cast %slice3A_325 : vector<1x128x512xf32> to vector<128x512xf32>
    %dot_general3A_327 = arith.constant dense<0.000000e+00> : vector<1x512xf32>
    %dot_general3A_328 = tpu.matmul %get3A_54, %squeeze3A_326, %dot_general3A_327 {dimension_numbers = #tpu.dot_dimension_numbers<[1], [0], [0], [1], [0, 0, 1, 1], [], []>, transpose_lhs_hint = false} : vector<1x128xf32>, vector<128x512xf32>, vector<1x512xf32> -> vector<1x512xf32>
    %slice3A_329 = vector.extract_strided_slice %add3A_51 {offsets = [69, 0, 0], sizes = [1, 128, 512], strides = [1, 1, 1]} : vector<128x128x512xf32> to vector<1x128x512xf32>
    %squeeze3A_330 = vector.shape_cast %slice3A_329 : vector<1x128x512xf32> to vector<128x512xf32>
    %dot_general3A_331 = arith.constant dense<0.000000e+00> : vector<1x512xf32>
    %dot_general3A_332 = tpu.matmul %get3A_54, %squeeze3A_330, %dot_general3A_331 {dimension_numbers = #tpu.dot_dimension_numbers<[1], [0], [0], [1], [0, 0, 1, 1], [], []>, transpose_lhs_hint = false} : vector<1x128xf32>, vector<128x512xf32>, vector<1x512xf32> -> vector<1x512xf32>
    %slice3A_333 = vector.extract_strided_slice %add3A_51 {offsets = [70, 0, 0], sizes = [1, 128, 512], strides = [1, 1, 1]} : vector<128x128x512xf32> to vector<1x128x512xf32>
    %squeeze3A_334 = vector.shape_cast %slice3A_333 : vector<1x128x512xf32> to vector<128x512xf32>
    %dot_general3A_335 = arith.constant dense<0.000000e+00> : vector<1x512xf32>
    %dot_general3A_336 = tpu.matmul %get3A_54, %squeeze3A_334, %dot_general3A_335 {dimension_numbers = #tpu.dot_dimension_numbers<[1], [0], [0], [1], [0, 0, 1, 1], [], []>, transpose_lhs_hint = false} : vector<1x128xf32>, vector<128x512xf32>, vector<1x512xf32> -> vector<1x512xf32>
    %slice3A_337 = vector.extract_strided_slice %add3A_51 {offsets = [71, 0, 0], sizes = [1, 128, 512], strides = [1, 1, 1]} : vector<128x128x512xf32> to vector<1x128x512xf32>
    %squeeze3A_338 = vector.shape_cast %slice3A_337 : vector<1x128x512xf32> to vector<128x512xf32>
    %dot_general3A_339 = arith.constant dense<0.000000e+00> : vector<1x512xf32>
    %dot_general3A_340 = tpu.matmul %get3A_54, %squeeze3A_338, %dot_general3A_339 {dimension_numbers = #tpu.dot_dimension_numbers<[1], [0], [0], [1], [0, 0, 1, 1], [], []>, transpose_lhs_hint = false} : vector<1x128xf32>, vector<128x512xf32>, vector<1x512xf32> -> vector<1x512xf32>
    %slice3A_341 = vector.extract_strided_slice %add3A_51 {offsets = [72, 0, 0], sizes = [1, 128, 512], strides = [1, 1, 1]} : vector<128x128x512xf32> to vector<1x128x512xf32>
    %squeeze3A_342 = vector.shape_cast %slice3A_341 : vector<1x128x512xf32> to vector<128x512xf32>
    %dot_general3A_343 = arith.constant dense<0.000000e+00> : vector<1x512xf32>
    %dot_general3A_344 = tpu.matmul %get3A_54, %squeeze3A_342, %dot_general3A_343 {dimension_numbers = #tpu.dot_dimension_numbers<[1], [0], [0], [1], [0, 0, 1, 1], [], []>, transpose_lhs_hint = false} : vector<1x128xf32>, vector<128x512xf32>, vector<1x512xf32> -> vector<1x512xf32>
    %slice3A_345 = vector.extract_strided_slice %add3A_51 {offsets = [73, 0, 0], sizes = [1, 128, 512], strides = [1, 1, 1]} : vector<128x128x512xf32> to vector<1x128x512xf32>
    %squeeze3A_346 = vector.shape_cast %slice3A_345 : vector<1x128x512xf32> to vector<128x512xf32>
    %dot_general3A_347 = arith.constant dense<0.000000e+00> : vector<1x512xf32>
    %dot_general3A_348 = tpu.matmul %get3A_54, %squeeze3A_346, %dot_general3A_347 {dimension_numbers = #tpu.dot_dimension_numbers<[1], [0], [0], [1], [0, 0, 1, 1], [], []>, transpose_lhs_hint = false} : vector<1x128xf32>, vector<128x512xf32>, vector<1x512xf32> -> vector<1x512xf32>
    %slice3A_349 = vector.extract_strided_slice %add3A_51 {offsets = [74, 0, 0], sizes = [1, 128, 512], strides = [1, 1, 1]} : vector<128x128x512xf32> to vector<1x128x512xf32>
    %squeeze3A_350 = vector.shape_cast %slice3A_349 : vector<1x128x512xf32> to vector<128x512xf32>
    %dot_general3A_351 = arith.constant dense<0.000000e+00> : vector<1x512xf32>
    %dot_general3A_352 = tpu.matmul %get3A_54, %squeeze3A_350, %dot_general3A_351 {dimension_numbers = #tpu.dot_dimension_numbers<[1], [0], [0], [1], [0, 0, 1, 1], [], []>, transpose_lhs_hint = false} : vector<1x128xf32>, vector<128x512xf32>, vector<1x512xf32> -> vector<1x512xf32>
    %slice3A_353 = vector.extract_strided_slice %add3A_51 {offsets = [75, 0, 0], sizes = [1, 128, 512], strides = [1, 1, 1]} : vector<128x128x512xf32> to vector<1x128x512xf32>
    %squeeze3A_354 = vector.shape_cast %slice3A_353 : vector<1x128x512xf32> to vector<128x512xf32>
    %dot_general3A_355 = arith.constant dense<0.000000e+00> : vector<1x512xf32>
    %dot_general3A_356 = tpu.matmul %get3A_54, %squeeze3A_354, %dot_general3A_355 {dimension_numbers = #tpu.dot_dimension_numbers<[1], [0], [0], [1], [0, 0, 1, 1], [], []>, transpose_lhs_hint = false} : vector<1x128xf32>, vector<128x512xf32>, vector<1x512xf32> -> vector<1x512xf32>
    %slice3A_357 = vector.extract_strided_slice %add3A_51 {offsets = [76, 0, 0], sizes = [1, 128, 512], strides = [1, 1, 1]} : vector<128x128x512xf32> to vector<1x128x512xf32>
    %squeeze3A_358 = vector.shape_cast %slice3A_357 : vector<1x128x512xf32> to vector<128x512xf32>
    %dot_general3A_359 = arith.constant dense<0.000000e+00> : vector<1x512xf32>
    %dot_general3A_360 = tpu.matmul %get3A_54, %squeeze3A_358, %dot_general3A_359 {dimension_numbers = #tpu.dot_dimension_numbers<[1], [0], [0], [1], [0, 0, 1, 1], [], []>, transpose_lhs_hint = false} : vector<1x128xf32>, vector<128x512xf32>, vector<1x512xf32> -> vector<1x512xf32>
    %slice3A_361 = vector.extract_strided_slice %add3A_51 {offsets = [77, 0, 0], sizes = [1, 128, 512], strides = [1, 1, 1]} : vector<128x128x512xf32> to vector<1x128x512xf32>
    %squeeze3A_362 = vector.shape_cast %slice3A_361 : vector<1x128x512xf32> to vector<128x512xf32>
    %dot_general3A_363 = arith.constant dense<0.000000e+00> : vector<1x512xf32>
    %dot_general3A_364 = tpu.matmul %get3A_54, %squeeze3A_362, %dot_general3A_363 {dimension_numbers = #tpu.dot_dimension_numbers<[1], [0], [0], [1], [0, 0, 1, 1], [], []>, transpose_lhs_hint = false} : vector<1x128xf32>, vector<128x512xf32>, vector<1x512xf32> -> vector<1x512xf32>
    %slice3A_365 = vector.extract_strided_slice %add3A_51 {offsets = [78, 0, 0], sizes = [1, 128, 512], strides = [1, 1, 1]} : vector<128x128x512xf32> to vector<1x128x512xf32>
    %squeeze3A_366 = vector.shape_cast %slice3A_365 : vector<1x128x512xf32> to vector<128x512xf32>
    %dot_general3A_367 = arith.constant dense<0.000000e+00> : vector<1x512xf32>
    %dot_general3A_368 = tpu.matmul %get3A_54, %squeeze3A_366, %dot_general3A_367 {dimension_numbers = #tpu.dot_dimension_numbers<[1], [0], [0], [1], [0, 0, 1, 1], [], []>, transpose_lhs_hint = false} : vector<1x128xf32>, vector<128x512xf32>, vector<1x512xf32> -> vector<1x512xf32>
    %slice3A_369 = vector.extract_strided_slice %add3A_51 {offsets = [79, 0, 0], sizes = [1, 128, 512], strides = [1, 1, 1]} : vector<128x128x512xf32> to vector<1x128x512xf32>
    %squeeze3A_370 = vector.shape_cast %slice3A_369 : vector<1x128x512xf32> to vector<128x512xf32>
    %dot_general3A_371 = arith.constant dense<0.000000e+00> : vector<1x512xf32>
    %dot_general3A_372 = tpu.matmul %get3A_54, %squeeze3A_370, %dot_general3A_371 {dimension_numbers = #tpu.dot_dimension_numbers<[1], [0], [0], [1], [0, 0, 1, 1], [], []>, transpose_lhs_hint = false} : vector<1x128xf32>, vector<128x512xf32>, vector<1x512xf32> -> vector<1x512xf32>
    %slice3A_373 = vector.extract_strided_slice %add3A_51 {offsets = [80, 0, 0], sizes = [1, 128, 512], strides = [1, 1, 1]} : vector<128x128x512xf32> to vector<1x128x512xf32>
    %squeeze3A_374 = vector.shape_cast %slice3A_373 : vector<1x128x512xf32> to vector<128x512xf32>
    %dot_general3A_375 = arith.constant dense<0.000000e+00> : vector<1x512xf32>
    %dot_general3A_376 = tpu.matmul %get3A_54, %squeeze3A_374, %dot_general3A_375 {dimension_numbers = #tpu.dot_dimension_numbers<[1], [0], [0], [1], [0, 0, 1, 1], [], []>, transpose_lhs_hint = false} : vector<1x128xf32>, vector<128x512xf32>, vector<1x512xf32> -> vector<1x512xf32>
    %slice3A_377 = vector.extract_strided_slice %add3A_51 {offsets = [81, 0, 0], sizes = [1, 128, 512], strides = [1, 1, 1]} : vector<128x128x512xf32> to vector<1x128x512xf32>
    %squeeze3A_378 = vector.shape_cast %slice3A_377 : vector<1x128x512xf32> to vector<128x512xf32>
    %dot_general3A_379 = arith.constant dense<0.000000e+00> : vector<1x512xf32>
    %dot_general3A_380 = tpu.matmul %get3A_54, %squeeze3A_378, %dot_general3A_379 {dimension_numbers = #tpu.dot_dimension_numbers<[1], [0], [0], [1], [0, 0, 1, 1], [], []>, transpose_lhs_hint = false} : vector<1x128xf32>, vector<128x512xf32>, vector<1x512xf32> -> vector<1x512xf32>
    %slice3A_381 = vector.extract_strided_slice %add3A_51 {offsets = [82, 0, 0], sizes = [1, 128, 512], strides = [1, 1, 1]} : vector<128x128x512xf32> to vector<1x128x512xf32>
    %squeeze3A_382 = vector.shape_cast %slice3A_381 : vector<1x128x512xf32> to vector<128x512xf32>
    %dot_general3A_383 = arith.constant dense<0.000000e+00> : vector<1x512xf32>
    %dot_general3A_384 = tpu.matmul %get3A_54, %squeeze3A_382, %dot_general3A_383 {dimension_numbers = #tpu.dot_dimension_numbers<[1], [0], [0], [1], [0, 0, 1, 1], [], []>, transpose_lhs_hint = false} : vector<1x128xf32>, vector<128x512xf32>, vector<1x512xf32> -> vector<1x512xf32>
    %slice3A_385 = vector.extract_strided_slice %add3A_51 {offsets = [83, 0, 0], sizes = [1, 128, 512], strides = [1, 1, 1]} : vector<128x128x512xf32> to vector<1x128x512xf32>
    %squeeze3A_386 = vector.shape_cast %slice3A_385 : vector<1x128x512xf32> to vector<128x512xf32>
    %dot_general3A_387 = arith.constant dense<0.000000e+00> : vector<1x512xf32>
    %dot_general3A_388 = tpu.matmul %get3A_54, %squeeze3A_386, %dot_general3A_387 {dimension_numbers = #tpu.dot_dimension_numbers<[1], [0], [0], [1], [0, 0, 1, 1], [], []>, transpose_lhs_hint = false} : vector<1x128xf32>, vector<128x512xf32>, vector<1x512xf32> -> vector<1x512xf32>
    %slice3A_389 = vector.extract_strided_slice %add3A_51 {offsets = [84, 0, 0], sizes = [1, 128, 512], strides = [1, 1, 1]} : vector<128x128x512xf32> to vector<1x128x512xf32>
    %squeeze3A_390 = vector.shape_cast %slice3A_389 : vector<1x128x512xf32> to vector<128x512xf32>
    %dot_general3A_391 = arith.constant dense<0.000000e+00> : vector<1x512xf32>
    %dot_general3A_392 = tpu.matmul %get3A_54, %squeeze3A_390, %dot_general3A_391 {dimension_numbers = #tpu.dot_dimension_numbers<[1], [0], [0], [1], [0, 0, 1, 1], [], []>, transpose_lhs_hint = false} : vector<1x128xf32>, vector<128x512xf32>, vector<1x512xf32> -> vector<1x512xf32>
    %slice3A_393 = vector.extract_strided_slice %add3A_51 {offsets = [85, 0, 0], sizes = [1, 128, 512], strides = [1, 1, 1]} : vector<128x128x512xf32> to vector<1x128x512xf32>
    %squeeze3A_394 = vector.shape_cast %slice3A_393 : vector<1x128x512xf32> to vector<128x512xf32>
    %dot_general3A_395 = arith.constant dense<0.000000e+00> : vector<1x512xf32>
    %dot_general3A_396 = tpu.matmul %get3A_54, %squeeze3A_394, %dot_general3A_395 {dimension_numbers = #tpu.dot_dimension_numbers<[1], [0], [0], [1], [0, 0, 1, 1], [], []>, transpose_lhs_hint = false} : vector<1x128xf32>, vector<128x512xf32>, vector<1x512xf32> -> vector<1x512xf32>
    %slice3A_397 = vector.extract_strided_slice %add3A_51 {offsets = [86, 0, 0], sizes = [1, 128, 512], strides = [1, 1, 1]} : vector<128x128x512xf32> to vector<1x128x512xf32>
    %squeeze3A_398 = vector.shape_cast %slice3A_397 : vector<1x128x512xf32> to vector<128x512xf32>
    %dot_general3A_399 = arith.constant dense<0.000000e+00> : vector<1x512xf32>
    %dot_general3A_400 = tpu.matmul %get3A_54, %squeeze3A_398, %dot_general3A_399 {dimension_numbers = #tpu.dot_dimension_numbers<[1], [0], [0], [1], [0, 0, 1, 1], [], []>, transpose_lhs_hint = false} : vector<1x128xf32>, vector<128x512xf32>, vector<1x512xf32> -> vector<1x512xf32>
    %slice3A_401 = vector.extract_strided_slice %add3A_51 {offsets = [87, 0, 0], sizes = [1, 128, 512], strides = [1, 1, 1]} : vector<128x128x512xf32> to vector<1x128x512xf32>
    %squeeze3A_402 = vector.shape_cast %slice3A_401 : vector<1x128x512xf32> to vector<128x512xf32>
    %dot_general3A_403 = arith.constant dense<0.000000e+00> : vector<1x512xf32>
    %dot_general3A_404 = tpu.matmul %get3A_54, %squeeze3A_402, %dot_general3A_403 {dimension_numbers = #tpu.dot_dimension_numbers<[1], [0], [0], [1], [0, 0, 1, 1], [], []>, transpose_lhs_hint = false} : vector<1x128xf32>, vector<128x512xf32>, vector<1x512xf32> -> vector<1x512xf32>
    %slice3A_405 = vector.extract_strided_slice %add3A_51 {offsets = [88, 0, 0], sizes = [1, 128, 512], strides = [1, 1, 1]} : vector<128x128x512xf32> to vector<1x128x512xf32>
    %squeeze3A_406 = vector.shape_cast %slice3A_405 : vector<1x128x512xf32> to vector<128x512xf32>
    %dot_general3A_407 = arith.constant dense<0.000000e+00> : vector<1x512xf32>
    %dot_general3A_408 = tpu.matmul %get3A_54, %squeeze3A_406, %dot_general3A_407 {dimension_numbers = #tpu.dot_dimension_numbers<[1], [0], [0], [1], [0, 0, 1, 1], [], []>, transpose_lhs_hint = false} : vector<1x128xf32>, vector<128x512xf32>, vector<1x512xf32> -> vector<1x512xf32>
    %slice3A_409 = vector.extract_strided_slice %add3A_51 {offsets = [89, 0, 0], sizes = [1, 128, 512], strides = [1, 1, 1]} : vector<128x128x512xf32> to vector<1x128x512xf32>
    %squeeze3A_410 = vector.shape_cast %slice3A_409 : vector<1x128x512xf32> to vector<128x512xf32>
    %dot_general3A_411 = arith.constant dense<0.000000e+00> : vector<1x512xf32>
    %dot_general3A_412 = tpu.matmul %get3A_54, %squeeze3A_410, %dot_general3A_411 {dimension_numbers = #tpu.dot_dimension_numbers<[1], [0], [0], [1], [0, 0, 1, 1], [], []>, transpose_lhs_hint = false} : vector<1x128xf32>, vector<128x512xf32>, vector<1x512xf32> -> vector<1x512xf32>
    %slice3A_413 = vector.extract_strided_slice %add3A_51 {offsets = [90, 0, 0], sizes = [1, 128, 512], strides = [1, 1, 1]} : vector<128x128x512xf32> to vector<1x128x512xf32>
    %squeeze3A_414 = vector.shape_cast %slice3A_413 : vector<1x128x512xf32> to vector<128x512xf32>
    %dot_general3A_415 = arith.constant dense<0.000000e+00> : vector<1x512xf32>
    %dot_general3A_416 = tpu.matmul %get3A_54, %squeeze3A_414, %dot_general3A_415 {dimension_numbers = #tpu.dot_dimension_numbers<[1], [0], [0], [1], [0, 0, 1, 1], [], []>, transpose_lhs_hint = false} : vector<1x128xf32>, vector<128x512xf32>, vector<1x512xf32> -> vector<1x512xf32>
    %slice3A_417 = vector.extract_strided_slice %add3A_51 {offsets = [91, 0, 0], sizes = [1, 128, 512], strides = [1, 1, 1]} : vector<128x128x512xf32> to vector<1x128x512xf32>
    %squeeze3A_418 = vector.shape_cast %slice3A_417 : vector<1x128x512xf32> to vector<128x512xf32>
    %dot_general3A_419 = arith.constant dense<0.000000e+00> : vector<1x512xf32>
    %dot_general3A_420 = tpu.matmul %get3A_54, %squeeze3A_418, %dot_general3A_419 {dimension_numbers = #tpu.dot_dimension_numbers<[1], [0], [0], [1], [0, 0, 1, 1], [], []>, transpose_lhs_hint = false} : vector<1x128xf32>, vector<128x512xf32>, vector<1x512xf32> -> vector<1x512xf32>
    %slice3A_421 = vector.extract_strided_slice %add3A_51 {offsets = [92, 0, 0], sizes = [1, 128, 512], strides = [1, 1, 1]} : vector<128x128x512xf32> to vector<1x128x512xf32>
    %squeeze3A_422 = vector.shape_cast %slice3A_421 : vector<1x128x512xf32> to vector<128x512xf32>
    %dot_general3A_423 = arith.constant dense<0.000000e+00> : vector<1x512xf32>
    %dot_general3A_424 = tpu.matmul %get3A_54, %squeeze3A_422, %dot_general3A_423 {dimension_numbers = #tpu.dot_dimension_numbers<[1], [0], [0], [1], [0, 0, 1, 1], [], []>, transpose_lhs_hint = false} : vector<1x128xf32>, vector<128x512xf32>, vector<1x512xf32> -> vector<1x512xf32>
    %slice3A_425 = vector.extract_strided_slice %add3A_51 {offsets = [93, 0, 0], sizes = [1, 128, 512], strides = [1, 1, 1]} : vector<128x128x512xf32> to vector<1x128x512xf32>
    %squeeze3A_426 = vector.shape_cast %slice3A_425 : vector<1x128x512xf32> to vector<128x512xf32>
    %dot_general3A_427 = arith.constant dense<0.000000e+00> : vector<1x512xf32>
    %dot_general3A_428 = tpu.matmul %get3A_54, %squeeze3A_426, %dot_general3A_427 {dimension_numbers = #tpu.dot_dimension_numbers<[1], [0], [0], [1], [0, 0, 1, 1], [], []>, transpose_lhs_hint = false} : vector<1x128xf32>, vector<128x512xf32>, vector<1x512xf32> -> vector<1x512xf32>
    %slice3A_429 = vector.extract_strided_slice %add3A_51 {offsets = [94, 0, 0], sizes = [1, 128, 512], strides = [1, 1, 1]} : vector<128x128x512xf32> to vector<1x128x512xf32>
    %squeeze3A_430 = vector.shape_cast %slice3A_429 : vector<1x128x512xf32> to vector<128x512xf32>
    %dot_general3A_431 = arith.constant dense<0.000000e+00> : vector<1x512xf32>
    %dot_general3A_432 = tpu.matmul %get3A_54, %squeeze3A_430, %dot_general3A_431 {dimension_numbers = #tpu.dot_dimension_numbers<[1], [0], [0], [1], [0, 0, 1, 1], [], []>, transpose_lhs_hint = false} : vector<1x128xf32>, vector<128x512xf32>, vector<1x512xf32> -> vector<1x512xf32>
    %slice3A_433 = vector.extract_strided_slice %add3A_51 {offsets = [95, 0, 0], sizes = [1, 128, 512], strides = [1, 1, 1]} : vector<128x128x512xf32> to vector<1x128x512xf32>
    %squeeze3A_434 = vector.shape_cast %slice3A_433 : vector<1x128x512xf32> to vector<128x512xf32>
    %dot_general3A_435 = arith.constant dense<0.000000e+00> : vector<1x512xf32>
    %dot_general3A_436 = tpu.matmul %get3A_54, %squeeze3A_434, %dot_general3A_435 {dimension_numbers = #tpu.dot_dimension_numbers<[1], [0], [0], [1], [0, 0, 1, 1], [], []>, transpose_lhs_hint = false} : vector<1x128xf32>, vector<128x512xf32>, vector<1x512xf32> -> vector<1x512xf32>
    %slice3A_437 = vector.extract_strided_slice %add3A_51 {offsets = [96, 0, 0], sizes = [1, 128, 512], strides = [1, 1, 1]} : vector<128x128x512xf32> to vector<1x128x512xf32>
    %squeeze3A_438 = vector.shape_cast %slice3A_437 : vector<1x128x512xf32> to vector<128x512xf32>
    %dot_general3A_439 = arith.constant dense<0.000000e+00> : vector<1x512xf32>
    %dot_general3A_440 = tpu.matmul %get3A_54, %squeeze3A_438, %dot_general3A_439 {dimension_numbers = #tpu.dot_dimension_numbers<[1], [0], [0], [1], [0, 0, 1, 1], [], []>, transpose_lhs_hint = false} : vector<1x128xf32>, vector<128x512xf32>, vector<1x512xf32> -> vector<1x512xf32>
    %slice3A_441 = vector.extract_strided_slice %add3A_51 {offsets = [97, 0, 0], sizes = [1, 128, 512], strides = [1, 1, 1]} : vector<128x128x512xf32> to vector<1x128x512xf32>
    %squeeze3A_442 = vector.shape_cast %slice3A_441 : vector<1x128x512xf32> to vector<128x512xf32>
    %dot_general3A_443 = arith.constant dense<0.000000e+00> : vector<1x512xf32>
    %dot_general3A_444 = tpu.matmul %get3A_54, %squeeze3A_442, %dot_general3A_443 {dimension_numbers = #tpu.dot_dimension_numbers<[1], [0], [0], [1], [0, 0, 1, 1], [], []>, transpose_lhs_hint = false} : vector<1x128xf32>, vector<128x512xf32>, vector<1x512xf32> -> vector<1x512xf32>
    %slice3A_445 = vector.extract_strided_slice %add3A_51 {offsets = [98, 0, 0], sizes = [1, 128, 512], strides = [1, 1, 1]} : vector<128x128x512xf32> to vector<1x128x512xf32>
    %squeeze3A_446 = vector.shape_cast %slice3A_445 : vector<1x128x512xf32> to vector<128x512xf32>
    %dot_general3A_447 = arith.constant dense<0.000000e+00> : vector<1x512xf32>
    %dot_general3A_448 = tpu.matmul %get3A_54, %squeeze3A_446, %dot_general3A_447 {dimension_numbers = #tpu.dot_dimension_numbers<[1], [0], [0], [1], [0, 0, 1, 1], [], []>, transpose_lhs_hint = false} : vector<1x128xf32>, vector<128x512xf32>, vector<1x512xf32> -> vector<1x512xf32>
    %slice3A_449 = vector.extract_strided_slice %add3A_51 {offsets = [99, 0, 0], sizes = [1, 128, 512], strides = [1, 1, 1]} : vector<128x128x512xf32> to vector<1x128x512xf32>
    %squeeze3A_450 = vector.shape_cast %slice3A_449 : vector<1x128x512xf32> to vector<128x512xf32>
    %dot_general3A_451 = arith.constant dense<0.000000e+00> : vector<1x512xf32>
    %dot_general3A_452 = tpu.matmul %get3A_54, %squeeze3A_450, %dot_general3A_451 {dimension_numbers = #tpu.dot_dimension_numbers<[1], [0], [0], [1], [0, 0, 1, 1], [], []>, transpose_lhs_hint = false} : vector<1x128xf32>, vector<128x512xf32>, vector<1x512xf32> -> vector<1x512xf32>
    %slice3A_453 = vector.extract_strided_slice %add3A_51 {offsets = [100, 0, 0], sizes = [1, 128, 512], strides = [1, 1, 1]} : vector<128x128x512xf32> to vector<1x128x512xf32>
    %squeeze3A_454 = vector.shape_cast %slice3A_453 : vector<1x128x512xf32> to vector<128x512xf32>
    %dot_general3A_455 = arith.constant dense<0.000000e+00> : vector<1x512xf32>
    %dot_general3A_456 = tpu.matmul %get3A_54, %squeeze3A_454, %dot_general3A_455 {dimension_numbers = #tpu.dot_dimension_numbers<[1], [0], [0], [1], [0, 0, 1, 1], [], []>, transpose_lhs_hint = false} : vector<1x128xf32>, vector<128x512xf32>, vector<1x512xf32> -> vector<1x512xf32>
    %slice3A_457 = vector.extract_strided_slice %add3A_51 {offsets = [101, 0, 0], sizes = [1, 128, 512], strides = [1, 1, 1]} : vector<128x128x512xf32> to vector<1x128x512xf32>
    %squeeze3A_458 = vector.shape_cast %slice3A_457 : vector<1x128x512xf32> to vector<128x512xf32>
    %dot_general3A_459 = arith.constant dense<0.000000e+00> : vector<1x512xf32>
    %dot_general3A_460 = tpu.matmul %get3A_54, %squeeze3A_458, %dot_general3A_459 {dimension_numbers = #tpu.dot_dimension_numbers<[1], [0], [0], [1], [0, 0, 1, 1], [], []>, transpose_lhs_hint = false} : vector<1x128xf32>, vector<128x512xf32>, vector<1x512xf32> -> vector<1x512xf32>
    %slice3A_461 = vector.extract_strided_slice %add3A_51 {offsets = [102, 0, 0], sizes = [1, 128, 512], strides = [1, 1, 1]} : vector<128x128x512xf32> to vector<1x128x512xf32>
    %squeeze3A_462 = vector.shape_cast %slice3A_461 : vector<1x128x512xf32> to vector<128x512xf32>
    %dot_general3A_463 = arith.constant dense<0.000000e+00> : vector<1x512xf32>
    %dot_general3A_464 = tpu.matmul %get3A_54, %squeeze3A_462, %dot_general3A_463 {dimension_numbers = #tpu.dot_dimension_numbers<[1], [0], [0], [1], [0, 0, 1, 1], [], []>, transpose_lhs_hint = false} : vector<1x128xf32>, vector<128x512xf32>, vector<1x512xf32> -> vector<1x512xf32>
    %slice3A_465 = vector.extract_strided_slice %add3A_51 {offsets = [103, 0, 0], sizes = [1, 128, 512], strides = [1, 1, 1]} : vector<128x128x512xf32> to vector<1x128x512xf32>
    %squeeze3A_466 = vector.shape_cast %slice3A_465 : vector<1x128x512xf32> to vector<128x512xf32>
    %dot_general3A_467 = arith.constant dense<0.000000e+00> : vector<1x512xf32>
    %dot_general3A_468 = tpu.matmul %get3A_54, %squeeze3A_466, %dot_general3A_467 {dimension_numbers = #tpu.dot_dimension_numbers<[1], [0], [0], [1], [0, 0, 1, 1], [], []>, transpose_lhs_hint = false} : vector<1x128xf32>, vector<128x512xf32>, vector<1x512xf32> -> vector<1x512xf32>
    %slice3A_469 = vector.extract_strided_slice %add3A_51 {offsets = [104, 0, 0], sizes = [1, 128, 512], strides = [1, 1, 1]} : vector<128x128x512xf32> to vector<1x128x512xf32>
    %squeeze3A_470 = vector.shape_cast %slice3A_469 : vector<1x128x512xf32> to vector<128x512xf32>
    %dot_general3A_471 = arith.constant dense<0.000000e+00> : vector<1x512xf32>
    %dot_general3A_472 = tpu.matmul %get3A_54, %squeeze3A_470, %dot_general3A_471 {dimension_numbers = #tpu.dot_dimension_numbers<[1], [0], [0], [1], [0, 0, 1, 1], [], []>, transpose_lhs_hint = false} : vector<1x128xf32>, vector<128x512xf32>, vector<1x512xf32> -> vector<1x512xf32>
    %slice3A_473 = vector.extract_strided_slice %add3A_51 {offsets = [105, 0, 0], sizes = [1, 128, 512], strides = [1, 1, 1]} : vector<128x128x512xf32> to vector<1x128x512xf32>
    %squeeze3A_474 = vector.shape_cast %slice3A_473 : vector<1x128x512xf32> to vector<128x512xf32>
    %dot_general3A_475 = arith.constant dense<0.000000e+00> : vector<1x512xf32>
    %dot_general3A_476 = tpu.matmul %get3A_54, %squeeze3A_474, %dot_general3A_475 {dimension_numbers = #tpu.dot_dimension_numbers<[1], [0], [0], [1], [0, 0, 1, 1], [], []>, transpose_lhs_hint = false} : vector<1x128xf32>, vector<128x512xf32>, vector<1x512xf32> -> vector<1x512xf32>
    %slice3A_477 = vector.extract_strided_slice %add3A_51 {offsets = [106, 0, 0], sizes = [1, 128, 512], strides = [1, 1, 1]} : vector<128x128x512xf32> to vector<1x128x512xf32>
    %squeeze3A_478 = vector.shape_cast %slice3A_477 : vector<1x128x512xf32> to vector<128x512xf32>
    %dot_general3A_479 = arith.constant dense<0.000000e+00> : vector<1x512xf32>
    %dot_general3A_480 = tpu.matmul %get3A_54, %squeeze3A_478, %dot_general3A_479 {dimension_numbers = #tpu.dot_dimension_numbers<[1], [0], [0], [1], [0, 0, 1, 1], [], []>, transpose_lhs_hint = false} : vector<1x128xf32>, vector<128x512xf32>, vector<1x512xf32> -> vector<1x512xf32>
    %slice3A_481 = vector.extract_strided_slice %add3A_51 {offsets = [107, 0, 0], sizes = [1, 128, 512], strides = [1, 1, 1]} : vector<128x128x512xf32> to vector<1x128x512xf32>
    %squeeze3A_482 = vector.shape_cast %slice3A_481 : vector<1x128x512xf32> to vector<128x512xf32>
    %dot_general3A_483 = arith.constant dense<0.000000e+00> : vector<1x512xf32>
    %dot_general3A_484 = tpu.matmul %get3A_54, %squeeze3A_482, %dot_general3A_483 {dimension_numbers = #tpu.dot_dimension_numbers<[1], [0], [0], [1], [0, 0, 1, 1], [], []>, transpose_lhs_hint = false} : vector<1x128xf32>, vector<128x512xf32>, vector<1x512xf32> -> vector<1x512xf32>
    %slice3A_485 = vector.extract_strided_slice %add3A_51 {offsets = [108, 0, 0], sizes = [1, 128, 512], strides = [1, 1, 1]} : vector<128x128x512xf32> to vector<1x128x512xf32>
    %squeeze3A_486 = vector.shape_cast %slice3A_485 : vector<1x128x512xf32> to vector<128x512xf32>
    %dot_general3A_487 = arith.constant dense<0.000000e+00> : vector<1x512xf32>
    %dot_general3A_488 = tpu.matmul %get3A_54, %squeeze3A_486, %dot_general3A_487 {dimension_numbers = #tpu.dot_dimension_numbers<[1], [0], [0], [1], [0, 0, 1, 1], [], []>, transpose_lhs_hint = false} : vector<1x128xf32>, vector<128x512xf32>, vector<1x512xf32> -> vector<1x512xf32>
    %slice3A_489 = vector.extract_strided_slice %add3A_51 {offsets = [109, 0, 0], sizes = [1, 128, 512], strides = [1, 1, 1]} : vector<128x128x512xf32> to vector<1x128x512xf32>
    %squeeze3A_490 = vector.shape_cast %slice3A_489 : vector<1x128x512xf32> to vector<128x512xf32>
    %dot_general3A_491 = arith.constant dense<0.000000e+00> : vector<1x512xf32>
    %dot_general3A_492 = tpu.matmul %get3A_54, %squeeze3A_490, %dot_general3A_491 {dimension_numbers = #tpu.dot_dimension_numbers<[1], [0], [0], [1], [0, 0, 1, 1], [], []>, transpose_lhs_hint = false} : vector<1x128xf32>, vector<128x512xf32>, vector<1x512xf32> -> vector<1x512xf32>
    %slice3A_493 = vector.extract_strided_slice %add3A_51 {offsets = [110, 0, 0], sizes = [1, 128, 512], strides = [1, 1, 1]} : vector<128x128x512xf32> to vector<1x128x512xf32>
    %squeeze3A_494 = vector.shape_cast %slice3A_493 : vector<1x128x512xf32> to vector<128x512xf32>
    %dot_general3A_495 = arith.constant dense<0.000000e+00> : vector<1x512xf32>
    %dot_general3A_496 = tpu.matmul %get3A_54, %squeeze3A_494, %dot_general3A_495 {dimension_numbers = #tpu.dot_dimension_numbers<[1], [0], [0], [1], [0, 0, 1, 1], [], []>, transpose_lhs_hint = false} : vector<1x128xf32>, vector<128x512xf32>, vector<1x512xf32> -> vector<1x512xf32>
    %slice3A_497 = vector.extract_strided_slice %add3A_51 {offsets = [111, 0, 0], sizes = [1, 128, 512], strides = [1, 1, 1]} : vector<128x128x512xf32> to vector<1x128x512xf32>
    %squeeze3A_498 = vector.shape_cast %slice3A_497 : vector<1x128x512xf32> to vector<128x512xf32>
    %dot_general3A_499 = arith.constant dense<0.000000e+00> : vector<1x512xf32>
    %dot_general3A_500 = tpu.matmul %get3A_54, %squeeze3A_498, %dot_general3A_499 {dimension_numbers = #tpu.dot_dimension_numbers<[1], [0], [0], [1], [0, 0, 1, 1], [], []>, transpose_lhs_hint = false} : vector<1x128xf32>, vector<128x512xf32>, vector<1x512xf32> -> vector<1x512xf32>
    %slice3A_501 = vector.extract_strided_slice %add3A_51 {offsets = [112, 0, 0], sizes = [1, 128, 512], strides = [1, 1, 1]} : vector<128x128x512xf32> to vector<1x128x512xf32>
    %squeeze3A_502 = vector.shape_cast %slice3A_501 : vector<1x128x512xf32> to vector<128x512xf32>
    %dot_general3A_503 = arith.constant dense<0.000000e+00> : vector<1x512xf32>
    %dot_general3A_504 = tpu.matmul %get3A_54, %squeeze3A_502, %dot_general3A_503 {dimension_numbers = #tpu.dot_dimension_numbers<[1], [0], [0], [1], [0, 0, 1, 1], [], []>, transpose_lhs_hint = false} : vector<1x128xf32>, vector<128x512xf32>, vector<1x512xf32> -> vector<1x512xf32>
    %slice3A_505 = vector.extract_strided_slice %add3A_51 {offsets = [113, 0, 0], sizes = [1, 128, 512], strides = [1, 1, 1]} : vector<128x128x512xf32> to vector<1x128x512xf32>
    %squeeze3A_506 = vector.shape_cast %slice3A_505 : vector<1x128x512xf32> to vector<128x512xf32>
    %dot_general3A_507 = arith.constant dense<0.000000e+00> : vector<1x512xf32>
    %dot_general3A_508 = tpu.matmul %get3A_54, %squeeze3A_506, %dot_general3A_507 {dimension_numbers = #tpu.dot_dimension_numbers<[1], [0], [0], [1], [0, 0, 1, 1], [], []>, transpose_lhs_hint = false} : vector<1x128xf32>, vector<128x512xf32>, vector<1x512xf32> -> vector<1x512xf32>
    %slice3A_509 = vector.extract_strided_slice %add3A_51 {offsets = [114, 0, 0], sizes = [1, 128, 512], strides = [1, 1, 1]} : vector<128x128x512xf32> to vector<1x128x512xf32>
    %squeeze3A_510 = vector.shape_cast %slice3A_509 : vector<1x128x512xf32> to vector<128x512xf32>
    %dot_general3A_511 = arith.constant dense<0.000000e+00> : vector<1x512xf32>
    %dot_general3A_512 = tpu.matmul %get3A_54, %squeeze3A_510, %dot_general3A_511 {dimension_numbers = #tpu.dot_dimension_numbers<[1], [0], [0], [1], [0, 0, 1, 1], [], []>, transpose_lhs_hint = false} : vector<1x128xf32>, vector<128x512xf32>, vector<1x512xf32> -> vector<1x512xf32>
    %slice3A_513 = vector.extract_strided_slice %add3A_51 {offsets = [115, 0, 0], sizes = [1, 128, 512], strides = [1, 1, 1]} : vector<128x128x512xf32> to vector<1x128x512xf32>
    %squeeze3A_514 = vector.shape_cast %slice3A_513 : vector<1x128x512xf32> to vector<128x512xf32>
    %dot_general3A_515 = arith.constant dense<0.000000e+00> : vector<1x512xf32>
    %dot_general3A_516 = tpu.matmul %get3A_54, %squeeze3A_514, %dot_general3A_515 {dimension_numbers = #tpu.dot_dimension_numbers<[1], [0], [0], [1], [0, 0, 1, 1], [], []>, transpose_lhs_hint = false} : vector<1x128xf32>, vector<128x512xf32>, vector<1x512xf32> -> vector<1x512xf32>
    %slice3A_517 = vector.extract_strided_slice %add3A_51 {offsets = [116, 0, 0], sizes = [1, 128, 512], strides = [1, 1, 1]} : vector<128x128x512xf32> to vector<1x128x512xf32>
    %squeeze3A_518 = vector.shape_cast %slice3A_517 : vector<1x128x512xf32> to vector<128x512xf32>
    %dot_general3A_519 = arith.constant dense<0.000000e+00> : vector<1x512xf32>
    %dot_general3A_520 = tpu.matmul %get3A_54, %squeeze3A_518, %dot_general3A_519 {dimension_numbers = #tpu.dot_dimension_numbers<[1], [0], [0], [1], [0, 0, 1, 1], [], []>, transpose_lhs_hint = false} : vector<1x128xf32>, vector<128x512xf32>, vector<1x512xf32> -> vector<1x512xf32>
    %slice3A_521 = vector.extract_strided_slice %add3A_51 {offsets = [117, 0, 0], sizes = [1, 128, 512], strides = [1, 1, 1]} : vector<128x128x512xf32> to vector<1x128x512xf32>
    %squeeze3A_522 = vector.shape_cast %slice3A_521 : vector<1x128x512xf32> to vector<128x512xf32>
    %dot_general3A_523 = arith.constant dense<0.000000e+00> : vector<1x512xf32>
    %dot_general3A_524 = tpu.matmul %get3A_54, %squeeze3A_522, %dot_general3A_523 {dimension_numbers = #tpu.dot_dimension_numbers<[1], [0], [0], [1], [0, 0, 1, 1], [], []>, transpose_lhs_hint = false} : vector<1x128xf32>, vector<128x512xf32>, vector<1x512xf32> -> vector<1x512xf32>
    %slice3A_525 = vector.extract_strided_slice %add3A_51 {offsets = [118, 0, 0], sizes = [1, 128, 512], strides = [1, 1, 1]} : vector<128x128x512xf32> to vector<1x128x512xf32>
    %squeeze3A_526 = vector.shape_cast %slice3A_525 : vector<1x128x512xf32> to vector<128x512xf32>
    %dot_general3A_527 = arith.constant dense<0.000000e+00> : vector<1x512xf32>
    %dot_general3A_528 = tpu.matmul %get3A_54, %squeeze3A_526, %dot_general3A_527 {dimension_numbers = #tpu.dot_dimension_numbers<[1], [0], [0], [1], [0, 0, 1, 1], [], []>, transpose_lhs_hint = false} : vector<1x128xf32>, vector<128x512xf32>, vector<1x512xf32> -> vector<1x512xf32>
    %slice3A_529 = vector.extract_strided_slice %add3A_51 {offsets = [119, 0, 0], sizes = [1, 128, 512], strides = [1, 1, 1]} : vector<128x128x512xf32> to vector<1x128x512xf32>
    %squeeze3A_530 = vector.shape_cast %slice3A_529 : vector<1x128x512xf32> to vector<128x512xf32>
    %dot_general3A_531 = arith.constant dense<0.000000e+00> : vector<1x512xf32>
    %dot_general3A_532 = tpu.matmul %get3A_54, %squeeze3A_530, %dot_general3A_531 {dimension_numbers = #tpu.dot_dimension_numbers<[1], [0], [0], [1], [0, 0, 1, 1], [], []>, transpose_lhs_hint = false} : vector<1x128xf32>, vector<128x512xf32>, vector<1x512xf32> -> vector<1x512xf32>
    %slice3A_533 = vector.extract_strided_slice %add3A_51 {offsets = [120, 0, 0], sizes = [1, 128, 512], strides = [1, 1, 1]} : vector<128x128x512xf32> to vector<1x128x512xf32>
    %squeeze3A_534 = vector.shape_cast %slice3A_533 : vector<1x128x512xf32> to vector<128x512xf32>
    %dot_general3A_535 = arith.constant dense<0.000000e+00> : vector<1x512xf32>
    %dot_general3A_536 = tpu.matmul %get3A_54, %squeeze3A_534, %dot_general3A_535 {dimension_numbers = #tpu.dot_dimension_numbers<[1], [0], [0], [1], [0, 0, 1, 1], [], []>, transpose_lhs_hint = false} : vector<1x128xf32>, vector<128x512xf32>, vector<1x512xf32> -> vector<1x512xf32>
    %slice3A_537 = vector.extract_strided_slice %add3A_51 {offsets = [121, 0, 0], sizes = [1, 128, 512], strides = [1, 1, 1]} : vector<128x128x512xf32> to vector<1x128x512xf32>
    %squeeze3A_538 = vector.shape_cast %slice3A_537 : vector<1x128x512xf32> to vector<128x512xf32>
    %dot_general3A_539 = arith.constant dense<0.000000e+00> : vector<1x512xf32>
    %dot_general3A_540 = tpu.matmul %get3A_54, %squeeze3A_538, %dot_general3A_539 {dimension_numbers = #tpu.dot_dimension_numbers<[1], [0], [0], [1], [0, 0, 1, 1], [], []>, transpose_lhs_hint = false} : vector<1x128xf32>, vector<128x512xf32>, vector<1x512xf32> -> vector<1x512xf32>
    %slice3A_541 = vector.extract_strided_slice %add3A_51 {offsets = [122, 0, 0], sizes = [1, 128, 512], strides = [1, 1, 1]} : vector<128x128x512xf32> to vector<1x128x512xf32>
    %squeeze3A_542 = vector.shape_cast %slice3A_541 : vector<1x128x512xf32> to vector<128x512xf32>
    %dot_general3A_543 = arith.constant dense<0.000000e+00> : vector<1x512xf32>
    %dot_general3A_544 = tpu.matmul %get3A_54, %squeeze3A_542, %dot_general3A_543 {dimension_numbers = #tpu.dot_dimension_numbers<[1], [0], [0], [1], [0, 0, 1, 1], [], []>, transpose_lhs_hint = false} : vector<1x128xf32>, vector<128x512xf32>, vector<1x512xf32> -> vector<1x512xf32>
    %slice3A_545 = vector.extract_strided_slice %add3A_51 {offsets = [123, 0, 0], sizes = [1, 128, 512], strides = [1, 1, 1]} : vector<128x128x512xf32> to vector<1x128x512xf32>
    %squeeze3A_546 = vector.shape_cast %slice3A_545 : vector<1x128x512xf32> to vector<128x512xf32>
    %dot_general3A_547 = arith.constant dense<0.000000e+00> : vector<1x512xf32>
    %dot_general3A_548 = tpu.matmul %get3A_54, %squeeze3A_546, %dot_general3A_547 {dimension_numbers = #tpu.dot_dimension_numbers<[1], [0], [0], [1], [0, 0, 1, 1], [], []>, transpose_lhs_hint = false} : vector<1x128xf32>, vector<128x512xf32>, vector<1x512xf32> -> vector<1x512xf32>
    %slice3A_549 = vector.extract_strided_slice %add3A_51 {offsets = [124, 0, 0], sizes = [1, 128, 512], strides = [1, 1, 1]} : vector<128x128x512xf32> to vector<1x128x512xf32>
    %squeeze3A_550 = vector.shape_cast %slice3A_549 : vector<1x128x512xf32> to vector<128x512xf32>
    %dot_general3A_551 = arith.constant dense<0.000000e+00> : vector<1x512xf32>
    %dot_general3A_552 = tpu.matmul %get3A_54, %squeeze3A_550, %dot_general3A_551 {dimension_numbers = #tpu.dot_dimension_numbers<[1], [0], [0], [1], [0, 0, 1, 1], [], []>, transpose_lhs_hint = false} : vector<1x128xf32>, vector<128x512xf32>, vector<1x512xf32> -> vector<1x512xf32>
    %slice3A_553 = vector.extract_strided_slice %add3A_51 {offsets = [125, 0, 0], sizes = [1, 128, 512], strides = [1, 1, 1]} : vector<128x128x512xf32> to vector<1x128x512xf32>
    %squeeze3A_554 = vector.shape_cast %slice3A_553 : vector<1x128x512xf32> to vector<128x512xf32>
    %dot_general3A_555 = arith.constant dense<0.000000e+00> : vector<1x512xf32>
    %dot_general3A_556 = tpu.matmul %get3A_54, %squeeze3A_554, %dot_general3A_555 {dimension_numbers = #tpu.dot_dimension_numbers<[1], [0], [0], [1], [0, 0, 1, 1], [], []>, transpose_lhs_hint = false} : vector<1x128xf32>, vector<128x512xf32>, vector<1x512xf32> -> vector<1x512xf32>
    %slice3A_557 = vector.extract_strided_slice %add3A_51 {offsets = [126, 0, 0], sizes = [1, 128, 512], strides = [1, 1, 1]} : vector<128x128x512xf32> to vector<1x128x512xf32>
    %squeeze3A_558 = vector.shape_cast %slice3A_557 : vector<1x128x512xf32> to vector<128x512xf32>
    %dot_general3A_559 = arith.constant dense<0.000000e+00> : vector<1x512xf32>
    %dot_general3A_560 = tpu.matmul %get3A_54, %squeeze3A_558, %dot_general3A_559 {dimension_numbers = #tpu.dot_dimension_numbers<[1], [0], [0], [1], [0, 0, 1, 1], [], []>, transpose_lhs_hint = false} : vector<1x128xf32>, vector<128x512xf32>, vector<1x512xf32> -> vector<1x512xf32>
    %slice3A_561 = vector.extract_strided_slice %add3A_51 {offsets = [127, 0, 0], sizes = [1, 128, 512], strides = [1, 1, 1]} : vector<128x128x512xf32> to vector<1x128x512xf32>
    %squeeze3A_562 = vector.shape_cast %slice3A_561 : vector<1x128x512xf32> to vector<128x512xf32>
    %dot_general3A_563 = arith.constant dense<0.000000e+00> : vector<1x512xf32>
    %dot_general3A_564 = tpu.matmul %get3A_54, %squeeze3A_562, %dot_general3A_563 {dimension_numbers = #tpu.dot_dimension_numbers<[1], [0], [0], [1], [0, 0, 1, 1], [], []>, transpose_lhs_hint = false} : vector<1x128xf32>, vector<128x512xf32>, vector<1x512xf32> -> vector<1x512xf32>
    %concatenate3A = tpu.concatenate %dot_general3A_56, %dot_general3A_60, %dot_general3A_64, %dot_general3A_68, %dot_general3A_72, %dot_general3A_76, %dot_general3A_80, %dot_general3A_84, %dot_general3A_88, %dot_general3A_92, %dot_general3A_96, %dot_general3A_100, %dot_general3A_104, %dot_general3A_108, %dot_general3A_112, %dot_general3A_116, %dot_general3A_120, %dot_general3A_124, %dot_general3A_128, %dot_general3A_132, %dot_general3A_136, %dot_general3A_140, %dot_general3A_144, %dot_general3A_148, %dot_general3A_152, %dot_general3A_156, %dot_general3A_160, %dot_general3A_164, %dot_general3A_168, %dot_general3A_172, %dot_general3A_176, %dot_general3A_180, %dot_general3A_184, %dot_general3A_188, %dot_general3A_192, %dot_general3A_196, %dot_general3A_200, %dot_general3A_204, %dot_general3A_208, %dot_general3A_212, %dot_general3A_216, %dot_general3A_220, %dot_general3A_224, %dot_general3A_228, %dot_general3A_232, %dot_general3A_236, %dot_general3A_240, %dot_general3A_244, %dot_general3A_248, %dot_general3A_252, %dot_general3A_256, %dot_general3A_260, %dot_general3A_264, %dot_general3A_268, %dot_general3A_272, %dot_general3A_276, %dot_general3A_280, %dot_general3A_284, %dot_general3A_288, %dot_general3A_292, %dot_general3A_296, %dot_general3A_300, %dot_general3A_304, %dot_general3A_308, %dot_general3A_312, %dot_general3A_316, %dot_general3A_320, %dot_general3A_324, %dot_general3A_328, %dot_general3A_332, %dot_general3A_336, %dot_general3A_340, %dot_general3A_344, %dot_general3A_348, %dot_general3A_352, %dot_general3A_356, %dot_general3A_360, %dot_general3A_364, %dot_general3A_368, %dot_general3A_372, %dot_general3A_376, %dot_general3A_380, %dot_general3A_384, %dot_general3A_388, %dot_general3A_392, %dot_general3A_396, %dot_general3A_400, %dot_general3A_404, %dot_general3A_408, %dot_general3A_412, %dot_general3A_416, %dot_general3A_420, %dot_general3A_424, %dot_general3A_428, %dot_general3A_432, %dot_general3A_436, %dot_general3A_440, %dot_general3A_444, %dot_general3A_448, %dot_general3A_452, %dot_general3A_456, %dot_general3A_460, %dot_general3A_464, %dot_general3A_468, %dot_general3A_472, %dot_general3A_476, %dot_general3A_480, %dot_general3A_484, %dot_general3A_488, %dot_general3A_492, %dot_general3A_496, %dot_general3A_500, %dot_general3A_504, %dot_general3A_508, %dot_general3A_512, %dot_general3A_516, %dot_general3A_520, %dot_general3A_524, %dot_general3A_528, %dot_general3A_532, %dot_general3A_536, %dot_general3A_540, %dot_general3A_544, %dot_general3A_548, %dot_general3A_552, %dot_general3A_556, %dot_general3A_560, %dot_general3A_564 in 0 : vector<1x512xf32>, vector<1x512xf32>, vector<1x512xf32>, vector<1x512xf32>, vector<1x512xf32>, vector<1x512xf32>, vector<1x512xf32>, vector<1x512xf32>, vector<1x512xf32>, vector<1x512xf32>, vector<1x512xf32>, vector<1x512xf32>, vector<1x512xf32>, vector<1x512xf32>, vector<1x512xf32>, vector<1x512xf32>, vector<1x512xf32>, vector<1x512xf32>, vector<1x512xf32>, vector<1x512xf32>, vector<1x512xf32>, vector<1x512xf32>, vector<1x512xf32>, vector<1x512xf32>, vector<1x512xf32>, vector<1x512xf32>, vector<1x512xf32>, vector<1x512xf32>, vector<1x512xf32>, vector<1x512xf32>, vector<1x512xf32>, vector<1x512xf32>, vector<1x512xf32>, vector<1x512xf32>, vector<1x512xf32>, vector<1x512xf32>, vector<1x512xf32>, vector<1x512xf32>, vector<1x512xf32>, vector<1x512xf32>, vector<1x512xf32>, vector<1x512xf32>, vector<1x512xf32>, vector<1x512xf32>, vector<1x512xf32>, vector<1x512xf32>, vector<1x512xf32>, vector<1x512xf32>, vector<1x512xf32>, vector<1x512xf32>, vector<1x512xf32>, vector<1x512xf32>, vector<1x512xf32>, vector<1x512xf32>, vector<1x512xf32>, vector<1x512xf32>, vector<1x512xf32>, vector<1x512xf32>, vector<1x512xf32>, vector<1x512xf32>, vector<1x512xf32>, vector<1x512xf32>, vector<1x512xf32>, vector<1x512xf32>, vector<1x512xf32>, vector<1x512xf32>, vector<1x512xf32>, vector<1x512xf32>, vector<1x512xf32>, vector<1x512xf32>, vector<1x512xf32>, vector<1x512xf32>, vector<1x512xf32>, vector<1x512xf32>, vector<1x512xf32>, vector<1x512xf32>, vector<1x512xf32>, vector<1x512xf32>, vector<1x512xf32>, vector<1x512xf32>, vector<1x512xf32>, vector<1x512xf32>, vector<1x512xf32>, vector<1x512xf32>, vector<1x512xf32>, vector<1x512xf32>, vector<1x512xf32>, vector<1x512xf32>, vector<1x512xf32>, vector<1x512xf32>, vector<1x512xf32>, vector<1x512xf32>, vector<1x512xf32>, vector<1x512xf32>, vector<1x512xf32>, vector<1x512xf32>, vector<1x512xf32>, vector<1x512xf32>, vector<1x512xf32>, vector<1x512xf32>, vector<1x512xf32>, vector<1x512xf32>, vector<1x512xf32>, vector<1x512xf32>, vector<1x512xf32>, vector<1x512xf32>, vector<1x512xf32>, vector<1x512xf32>, vector<1x512xf32>, vector<1x512xf32>, vector<1x512xf32>, vector<1x512xf32>, vector<1x512xf32>, vector<1x512xf32>, vector<1x512xf32>, vector<1x512xf32>, vector<1x512xf32>, vector<1x512xf32>, vector<1x512xf32>, vector<1x512xf32>, vector<1x512xf32>, vector<1x512xf32>, vector<1x512xf32>, vector<1x512xf32>, vector<1x512xf32>, vector<1x512xf32>, vector<1x512xf32>, vector<1x512xf32> -> vector<128x512xf32>
    %get3A_565 = arith.constant 0 : index
    %get3A_566 = arith.constant 0 : index
    %get3A_567 = vector.load %arg20[%get3A_565, %get3A_566] : memref<1x1xf32, #tpu.memory_space<vmem>>, vector<1x1xf32>
    %add3A_568 = vector.broadcast %get3A_567 : vector<1x1xf32> to vector<128x512xf32>
    %add3A_569 = arith.addf %concatenate3A, %add3A_568 : vector<128x512xf32>
    %logistic3A = arith.negf %add3A_569 : vector<128x512xf32>
    %logistic3A_570 = math.exp %logistic3A : vector<128x512xf32>
    %logistic3A_571 = arith.constant 1.000000e+00 : f32
    %logistic3A_572 = vector.broadcast %logistic3A_571 : f32 to vector<128x512xf32>
    %logistic3A_573 = arith.addf %logistic3A_572, %logistic3A_570 : vector<128x512xf32>
    %logistic3A_574 = arith.divf %logistic3A_572, %logistic3A_573 : vector<128x512xf32>
    %swap3A = arith.constant 0 : index
    %swap3A_575 = arith.constant 0 : index
    %swap3A_576 = vector.load %arg21[%swap3A, %swap3A_575] : memref<128x512xf32, #tpu.memory_space<vmem>>, vector<128x512xf32>
    tpu.vector_store %arg21[%swap3A, %swap3A_575], %logistic3A_574 {strides = array<i32>} : memref<128x512xf32, #tpu.memory_space<vmem>>, vector<128x512xf32>,
    return
  }
  func.func @transform_0(%arg0: i32) -> (i32, i32, i32) {
    %c0_i32 = arith.constant 0 : i32
    %c0_i32_0 = arith.constant 0 : i32
    %c0_i32_1 = arith.constant 0 : i32
    %c0_i32_2 = arith.constant 0 : i32
    return %c0_i32, %c0_i32_0, %c0_i32_1 : i32, i32, i32
  }
  func.func @transform_1(%arg0: i32) -> (i32, i32) {
    %c0_i32 = arith.constant 0 : i32
    %c0_i32_0 = arith.constant 0 : i32
    %c0_i32_1 = arith.constant 0 : i32
    return %c0_i32, %c0_i32_0 : i32, i32
  }
  func.func @transform_2(%arg0: i32) -> (i32, i32) {
    %c0_i32 = arith.constant 0 : i32
    %c0_i32_0 = arith.constant 0 : i32
    %c0_i32_1 = arith.constant 0 : i32
    return %c0_i32, %c0_i32_0 : i32, i32
  }
  func.func @transform_3(%arg0: i32) -> (i32, i32) {
    %c0_i32 = arith.constant 0 : i32
    %c0_i32_0 = arith.constant 0 : i32
    %c0_i32_1 = arith.constant 0 : i32
    return %c0_i32, %c0_i32_0 : i32, i32
  }
  func.func @transform_4(%arg0: i32) -> (i32, i32) {
    %c0_i32 = arith.constant 0 : i32
    %c0_i32_0 = arith.constant 0 : i32
    %c0_i32_1 = arith.constant 0 : i32
    return %c0_i32, %c0_i32_0 : i32, i32
  }
  func.func @transform_5(%arg0: i32) -> (i32, i32) {
    %c0_i32 = arith.constant 0 : i32
    %c0_i32_0 = arith.constant 0 : i32
    %c0_i32_1 = arith.constant 0 : i32
    return %c0_i32, %c0_i32_0 : i32, i32
  }
  func.func @transform_6(%arg0: i32) -> (i32, i32) {
    %c0_i32 = arith.constant 0 : i32
    %c0_i32_0 = arith.constant 0 : i32
    %c0_i32_1 = arith.constant 0 : i32
    return %c0_i32, %c0_i32_0 : i32, i32
  }
  func.func @transform_7(%arg0: i32) -> (i32, i32) {
    %c0_i32 = arith.constant 0 : i32
    %c0_i32_0 = arith.constant 0 : i32
    %c0_i32_1 = arith.constant 0 : i32
    return %c0_i32, %c0_i32_0 : i32, i32
  }
  func.func @transform_8(%arg0: i32) -> (i32, i32) {
    %c0_i32 = arith.constant 0 : i32
    %c0_i32_0 = arith.constant 0 : i32
    %c0_i32_1 = arith.constant 0 : i32
    return %c0_i32, %c0_i32_0 : i32, i32
  }
  func.func @transform_9(%arg0: i32) -> (i32, i32) {
    %c0_i32 = arith.constant 0 : i32
    %c0_i32_0 = arith.constant 0 : i32
    %c0_i32_1 = arith.constant 0 : i32
    return %c0_i32, %c0_i32_0 : i32, i32
  }
  func.func @transform_10(%arg0: i32) -> (i32, i32) {
    %c0_i32 = arith.constant 0 : i32
    %c0_i32_0 = arith.constant 0 : i32
    %c0_i32_1 = arith.constant 0 : i32
    return %c0_i32, %c0_i32_0 : i32, i32
  }
  func.func @transform_11(%arg0: i32) -> (i32, i32) {
    %c0_i32 = arith.constant 0 : i32
    %c0_i32_0 = arith.constant 0 : i32
    %c0_i32_1 = arith.constant 0 : i32
    return %c0_i32, %c0_i32_0 : i32, i32
  }
  func.func @transform_12(%arg0: i32) -> (i32, i32) {
    %c0_i32 = arith.constant 0 : i32
    %c0_i32_0 = arith.constant 0 : i32
    %c0_i32_1 = arith.constant 0 : i32
    return %c0_i32, %c0_i32_0 : i32, i32
  }
  func.func @transform_13(%arg0: i32) -> (i32, i32) {
    %c0_i32 = arith.constant 0 : i32
    %c0_i32_0 = arith.constant 0 : i32
    %c0_i32_1 = arith.constant 0 : i32
    return %c0_i32, %c0_i32_0 : i32, i32
  }
  func.func @transform_14(%arg0: i32) -> (i32, i32) {
    %c0_i32 = arith.constant 0 : i32
    %c0_i32_0 = arith.constant 0 : i32
    %c0_i32_1 = arith.constant 0 : i32
    return %c0_i32, %c0_i32_0 : i32, i32
  }
  func.func @transform_15(%arg0: i32) -> (i32, i32) {
    %c0_i32 = arith.constant 0 : i32
    %c0_i32_0 = arith.constant 0 : i32
    %c0_i32_1 = arith.constant 0 : i32
    return %c0_i32, %c0_i32_0 : i32, i32
  }
  func.func @transform_16(%arg0: i32) -> (i32, i32) {
    %c0_i32 = arith.constant 0 : i32
    %c0_i32_0 = arith.constant 0 : i32
    %c0_i32_1 = arith.constant 0 : i32
    return %c0_i32, %c0_i32_0 : i32, i32
  }
  func.func @transform_17(%arg0: i32) -> (i32, i32) {
    %c0_i32 = arith.constant 0 : i32
    %c0_i32_0 = arith.constant 0 : i32
    %c0_i32_1 = arith.constant 0 : i32
    return %c0_i32, %c0_i32_0 : i32, i32
  }
  func.func @transform_18(%arg0: i32) -> (i32, i32) {
    %c0_i32 = arith.constant 0 : i32
    %c0_i32_0 = arith.constant 0 : i32
    %c0_i32_1 = arith.constant 0 : i32
    return %c0_i32, %c0_i32_0 : i32, i32
  }
  func.func @transform_19(%arg0: i32) -> (i32, i32) {
    %c0_i32 = arith.constant 0 : i32
    %c0_i32_0 = arith.constant 0 : i32
    %c0_i32_1 = arith.constant 0 : i32
    return %c0_i32, %c0_i32_0 : i32, i32
  }
  func.func @transform_20(%arg0: i32) -> (i32, i32) {
    %c0_i32 = arith.constant 0 : i32
    %c0_i32_0 = arith.constant 0 : i32
    return %arg0, %c0_i32 : i32, i32
  }
}

</mosaic_0001>

<sc_bundles>
// kernel: kernel.4.cloned.1.call-start
scs
__scs_entry_jumppad:
0x0: {  	(pc) =	sbr.rel $0x88, $3  }
0x1: {  	(tag) =	ssettag $0x0;
	lr =	simm.s32 $0x1  }
0x2: {  	[smem:$0x3F8D] =	sst lr;
	_ =	strace $0xD0000000  }
0x3: {  	_ = 	snop  }
0x4: {  	_ = 	snop  }
0x5: {  	_ = 	snop  }
0x6: {  	_ = 	snop  }
0x7: {  	_ = 	snop  }
__scs_overlays_trampoline_lowered:
0x8: {  	[smem:$0x3F9C] =	sst s0  }
0x9: {  	[smem:$0x3F9D] =	sst s1  }
0xa: {  	[smem:$0x3F9E] =	sst s2  }
0xb: {  	[smem:$0x3F9F] =	sst s3  }
0xc: {  	[smem:$0x3FA0] =	sst s4  }
0xd: {  	[smem:$0x3FA1] =	sst s5  }
0xe: {  	[smem:$0x3FA2] =	sst s6  }
0xf: {  	[smem:$0x3FA3] =	sst s7  }
0x10: {  	[smem:$0x3FA4] =	sst s8  }
0x11: {  	[smem:$0x3FA5] =	sst s9;
	s0 =	simm.s32 @!p0 $0x0  }
0x12: {  	s1 =	sld [smem:$0x3F8B];
	s0 =	simm.s32 @p0 $0x1  }
0x13: {  	[smem:$0x3FA6] =	sst s0;
	s0 =	simm.s32 @!p1 $0x0  }
0x14: {  	s2 =	sld [smem:$0x3F8A];
	s0 =	simm.s32 @p1 $0x1  }
0x15: {  	[smem:$0x3FA7] =	sst s0;
	s0 =	simm.s32 @!p2 $0x0  }
0x16: {  	s3 =	sld [smem:$0x3FDB];
	s0 =	simm.s32 @p2 $0x1  }
0x17: {  	s4 =	simm.s32 $0x1BF5;
	[smem:$0x3FA9] =	sst s0  }
0x18: {  	s0 =	sld [smem:$0x3F8C];
	_ =	swait.ge [sflag:s4], $0x0  }
0x19: {  	s7 =	sld [smem:$0x3F8D]  }
0x1a: {  	s8 =	sadd.s32 $0xFFFFE003, lr  }
0x1b: {  	s9 =	sadd.s32 $0xFFFFFEF7, lr;
	s5 =	simm.s32 $0xFFFFFFFF;
	p2 =	slt.u32 s8, $0xFFFFF086  }
0x1c: {  	p1 =	slt.u32 s9, $0xF7A;
	s5 =	simm.s32 @!p2 $0x0  }
0x1d: {  	s5 =	simm.s32 @p1 $0x1;
	p0 =	seq.s32 s7, s2  }
0x1e: {  	s7 =	smul.u32 @!p0 $0xF7A, s2;
	p2 =	seq.s32 @!p0 s5, $0x0  }
0x1f: {  	s9 =	smul.u32 $0xF7A, s1;
	s8 =	simm.s32 @!p0 $0x1BF5;
	p2 =	por !p2, p0  }
0x20: {  	[sflag:s8] =	ssyncset.s32 @!p0 $0xFFFFF086;
	s6 =	sadd.s32 @!p0 s3, s7;
	s7 =	simm.s32 @!p0 $0x108  }
0x21: {  	s3 =	sadd.s32 s3, s9;
	s6 =	sadd.s32 @!p0 $0x88, s6;
	s7 =	simm.s32 @p2 $0x1082  }
0x22: {  	[simem:s7], [sflag:s8] =	dma.local @!p0 [hbm:s6], $0xF7A  }
0x23: {  	s9 =	sor.u32 $0xD0000000, s2;
	s6 =	simm.s32 $0x108;
	_ =	swait.ge @!p0 [sflag:s8], $0x0  }
0x24: {  	s3 =	sadd.s32 $0x88, s3;
	s6 =	simm.s32 @!p1 $0x1082;
	[sflag:s4] =	ssyncset.s32 $0xFFFFF086  }
0x25: {  	[simem:s6], [sflag:s4] =	dma.local [hbm:s3], $0xF7A  }
0x26: {  	[smem:$0x3F8D] =	sst s1;
	(tag) =	ssettag s2;
	_ =	strace s9  }
0x27: {  	s1 =	sld [smem:$0x3F9D]  }
0x28: {  	s2 =	sld [smem:$0x3F9E]  }
0x29: {  	s4 =	sld [smem:$0x3FA0]  }
0x2a: {  	p0 =	seq.s32 s5, $0x0;
	s5 =	sld [smem:$0x3FA1]  }
0x2b: {  	s6 =	sld [smem:$0x3FA2]  }
0x2c: {  	s7 =	sld [smem:$0x3FA3]  }
0x2d: {  	s3 =	simm.s32 $0x108;
	s8 =	sld [smem:$0x3FA4]  }
0x2e: {  	s3 =	simm.s32 @!p0 $0x1082;
	s9 =	sld [smem:$0x3FA5]  }
0x2f: {  	lr =	sadd.s32 s0, s3;
	s0 =	sld [smem:$0x3F9C]  }
0x30: {  	s3 =	sld [smem:$0x3F9F]  }
0x31: {  	[smem:$0x3FA8] =	sst s10  }
0x32: {  	s10 =	sld [smem:$0x3FA6];
	_ =	sdelay $0x3  }
0x33: {  	p0 =	seq.s32 s10, $0x1;
	s10 =	sld [smem:$0x3FA8];
	_ =	sdelay $0x3  }
0x34: {  	[smem:$0x3FA8] =	sst s10  }
0x35: {  	s10 =	sld [smem:$0x3FA7];
	_ =	sdelay $0x3  }
0x36: {  	p1 =	seq.s32 s10, $0x1;
	s10 =	sld [smem:$0x3FA8];
	_ =	sdelay $0x3  }
0x37: {  	[smem:$0x3FA8] =	sst s10  }
0x38: {  	s10 =	sld [smem:$0x3FA9]  }
0x39: {  	_ = 	snop;
	(pc) =	sbr.ind lr, $3  }
0x3a: {  	_ = 	snop  }
0x3b: {  	_ = 	snop  }
0x3c: {  	p2 =	seq.s32 s10, $0x1;
	s10 =	sld [smem:$0x3FA8]  }
0x3d: {  	_ =	shalt  }
0x3e: {  	_ =	shalt  }
0x3f: {  	_ =	shalt  }
0x40: {  	_ =	shalt  }
0x41: {  	_ =	shalt  }
0x42: {  	_ =	shalt  }
0x43: {  	_ =	shalt  }
0x44: {  	_ =	shalt  }
0x45: {  	_ =	shalt  }
0x46: {  	_ =	shalt  }
0x47: {  	_ =	shalt  }
0x48: {  	_ =	shalt  }
0x49: {  	_ =	shalt  }
0x4a: {  	_ =	shalt  }
0x4b: {  	_ =	shalt  }
0x4c: {  	_ =	shalt  }
0x4d: {  	_ =	shalt  }
0x4e: {  	_ =	shalt  }
0x4f: {  	_ =	shalt  }
0x50: {  	_ =	shalt  }
0x51: {  	_ =	shalt  }
0x52: {  	_ =	shalt  }
0x53: {  	_ =	shalt  }
0x54: {  	_ =	shalt  }
0x55: {  	_ =	shalt  }
0x56: {  	_ =	shalt  }
0x57: {  	_ =	shalt  }
0x58: {  	_ =	shalt  }
0x59: {  	_ =	shalt  }
0x5a: {  	_ =	shalt  }
0x5b: {  	_ =	shalt  }
0x5c: {  	_ =	shalt  }
0x5d: {  	_ =	shalt  }
0x5e: {  	_ =	shalt  }
0x5f: {  	_ =	shalt  }
0x60: {  	_ =	shalt  }
0x61: {  	_ =	shalt  }
0x62: {  	_ =	shalt  }
0x63: {  	_ =	shalt  }
0x64: {  	_ =	shalt  }
0x65: {  	_ =	shalt  }
0x66: {  	_ =	shalt  }
0x67: {  	_ =	shalt  }
0x68: {  	_ =	shalt  }
0x69: {  	_ =	shalt  }
0x6a: {  	_ =	shalt  }
0x6b: {  	_ =	shalt  }
0x6c: {  	_ =	shalt  }
0x6d: {  	_ =	shalt  }
0x6e: {  	_ =	shalt  }
0x6f: {  	_ =	shalt  }
0x70: {  	_ =	shalt  }
0x71: {  	_ =	shalt  }
0x72: {  	_ =	shalt  }
0x73: {  	_ =	shalt  }
0x74: {  	_ =	shalt  }
0x75: {  	_ =	shalt  }
0x76: {  	_ =	shalt  }
0x77: {  	_ =	shalt  }
0x78: {  	_ =	shalt  }
0x79: {  	_ =	shalt  }
0x7a: {  	_ =	shalt  }
0x7b: {  	_ =	shalt  }
0x7c: {  	_ =	shalt  }
0x7d: {  	_ =	shalt  }
0x7e: {  	_ =	shalt  }
0x7f: {  	_ =	shalt  }
0x80: {  	_ =	shalt  }
0x81: {  	_ =	shalt  }
0x82: {  	_ =	shalt  }
0x83: {  	_ =	shalt  }
0x84: {  	_ =	shalt  }
0x85: {  	_ =	shalt  }
0x86: {  	_ =	shalt  }
0x87: {  	_ =	shalt  }
.Lfunc_end0:
.L_simem_size_0:
called_computation_lowered:
.L_overlay_start_0:
0x88: {  	s2 =	sld [smem:$0x3FD9]  }
0x89: {  	s3 =	sld [smem:$0x3FFE];
	_ =	sdelay $0x1  }
0x8a: {  	s1 =	srdreg.scid  }
0x8b: {  	s0 =	sand.u32 $0x1, s1  }
0x8c: {  	s17 =	sshll.u32 s0, $0xA;
	s2 =	sadd.s32 s3, s2  }
0x8d: {  	s2 =	sadd.s32 s2, s17  }
0x8e: {  	[smem:$0x3FB4] =	sst s2  }
0x8f: {  	_ = 	snop  }
0x90: {  	s2 =	sld [smem:$0x3FD0];
	(tm) =	ssettm $0x1  }
0x91: {  	s18 =	sld [smem:$0x3FFB];
	_ =	sdelay $0x3  }
0x92: {  	_ =	strace s18  }
0x93: {  	s3 =	sld [smem:$0x3FFC];
	_ =	sdelay $0x3  }
0x94: {  	_ =	strace s3  }
0x95: {  	s3 =	sld [smem:$0x3FFD];
	_ =	sdelay $0x3  }
0x96: {  	_ =	strace s3  }
0x97: {  	_ =	strace $0x8FFFFFFF  }
0x98: {  	s19 =	sld [smem:$0x3FDB];
	_ =	sdelay $0x1  }
0x99: {  	s4 =	simm.s32 $_scs_section_size  }
0x9a: {  	s5 =	simm.s32 $_size__tile_overlayer_lowered;
	s6 =	simm.s32 $_tile_overlayer_lowered  }
0x9b: {  	s22 =	simm.s32 $0x1BFF;
	s21 =	sshll.u32 s6, $0x1;
	s3 =	sadd.s32 s4, s19  }
0x9c: {  	s7 =	simm.s32 $0x0;
	s20 =	sshll.u32 s5, $0x1;
	s5 =	sadd.s32 s21, s3  }
0x9d: {  	[timem:s7], [sflag:s22] =	dma.local [hbm:s5], s20  }
0x9e: {  	_ =	swait.ge [sflag:s22], s20  }
0x9f: {  	s4 =	ssub.s32 $0x0, s20;
	[sflag:s22] =	ssyncset.done $0x0  }
0xa0: {  	[sflag:s22] =	ssyncadd.s32 s4;
	_ =	sdelay $0x1  }
0xa1: {  	s23 =	simm.s32 $0x1B8B  }
0xa2: {  	_ =	swait.ge [sflag:s23], $0x1  }
0xa3: {  	[sflag:s23] =	ssyncset.done $0x0  }
0xa4: {  	s25 =	simm.s32 $0x1B8E;
	s24 =	sld [smem:$0x3FFE];
	[sflag:s23] =	ssyncadd.s32 $0xFFFFFFFF  }
0xa5: {  	s26 =	simm.s32 $execute0_lowered;
	[smem:$0x3FD2] =	sst s25  }
0xa6: {  	s5 =	sshll.u32 s26, $0x1;
	_ =	strace $0x80000046;
	[dreg:$0x1] =	wrdreg $0xFFFFFFFF  }
0xa7: {  	s28 =	simm.s32 $_size_execute0_lowered;
	s3 =	sadd.s32 s3, s5;
	[dreg:$0x0] =	wrdreg $0x0  }
0xa8: {  	s5 =	sshll.u32 s28, $0x1;
	[dreg:$0x2] =	wrdreg s3  }
0xa9: {  	[dreg:$0x3] =	wrdreg s5  }
0xaa: {  	[dreg:$0x4] =	wrdreg $0xC0  }
0xab: {  	_ =	task [dreg:s7], $0x5FFFF  }
0xac: {  	[dreg:$0x1] =	wrdreg $0xFFFFFFFF  }
0xad: {  	[dreg:$0x0] =	wrdreg $0x60  }
0xae: {  	[dreg:$0x2] =	wrdreg s24  }
0xaf: {  	[dreg:$0x3] =	wrdreg s2  }
0xb0: {  	[dreg:$0x4] =	wrdreg $0x9  }
0xb1: {  	_ =	task.clear_ibuf [dreg:s7], $0x5FFFF;
	_ =	strace $0x90000046  }
0xb2: {  	s29 =	simm.s32 $0x9;
	_ =	strace $0x80000048  }
0xb3: {  	_ =	swait.ge [sflag:s29], $0x1  }
0xb4: {  	[sflag:s29] =	ssyncadd.s32 $0xFFFFFFFF  }
0xb5: {  	_ =	strace $0x90000048  }
0xb6: {  	_ =	sfence  }
0xb7: {  	s30 =	sld [smem:$0x0];
	_ =	sdelay $0x2  }
0xb8: {  	s31 =	sshll.u32 s1, $0xD;
	s1 =	sshrl.u32 s1, $0x2  }
0xb9: {  	s3 =	sand.u32 $0x4000, s31;
	s1 =	sadd.s32 s1, s30  }
0xba: {  	s0 =	sor.u32 s3, s0;
	s1 =	sshll.u32 s1, $0x11  }
0xbb: {  	s0 =	sor.u32 s1, s0  }
0xbc: {  	s0 =	sadd.s32 $0x8F2B, s0  }
0xbd: {  	[sflag:s0] =	ssyncadd.remote.s32 $0x1  }
0xbe: {  	_ =	sfence.sel $0xFFFF  }
0xbf: {  	[dreg:$0x0] =	wrdreg $0xFFFFFFFF;
	(pc) =	sbr.abs _section_cstart, $3  }
0xc0: {  	[dreg:$0x1] =	wrdreg $0xFFFFFFFF  }
0xc1: {  	_ =	task.clear_ibuf [dreg:s7], $0x2FFFF;
	_ =	strace $0x9FFFFFFF  }
0xc2: {  	(tm) =	ssettm $0x7FFFFFFF  }
0xc3: {  	_ =	shalt  }
tec
execute0_lowered:
.L_overlay_start_1:
0x0: {  	(tag) =	ssettag $0x1  }
0x1: {  	s3 =	rddreg [dreg:$0x0]  }
0x2: {  	s4 =	rddreg [dreg:$0x1]  }
0x3: {  	s0 =	rddreg [dreg:$0x2];
	s1 =	simm.s32 $0x0;
	s2 =	srdreg.scid  }
0x4: {  	[smem:$0x7FF] =	sst s1;
	s5 =	sand.u32 $0x1, s2  }
0x5: {  	s2 =	stileid.u32;
	_ =	strace $0x80000047;
	s6 =	ssub.s32 $0x2, s5  }
0x6: {  	s7 =	sshll.u32 s5, $0xA;
	s8 =	sshll.u32 s2, $0xB;
	s30 =	sshll.u32 s2, $0x5  }
0x7: {  	s5 =	sshll.u32 s5, $0xF;
	s9 =	sshrl.u32 s6, $0x1;
	s10 =	sadd.s32 s7, s3  }
0x8: {  	s8 =	sadd.s32 s8, s3;
	s4 =	sadd.s32 s4, s7;
	s31 =	sadd.s32 $0x20, s30  }
0x9: {  	s7 =	simm.s32 $0x1;
	s6 =	ssub.s32 s6, s9;
	s3 =	sadd.s32 $0x2A00, s10  }
0xa: {  	s5 =	sadd.s32 s5, s8;
	s8 =	simm.s32 $0x2000;
	s9 =	simm.s32 $0x4000  }
0xb: {  	v2 =	vimm.f32 $0.0e+00;
	v0 =	vmov s30;
	v1 =	vmov s31;
	s10 =	simm.s32 $0x0;
	s5 =	sadd.s32 $0x3200, s5;
	s6 =	smax.u32 s6, $0x1  }
.LBB2_1:
0xc: {  	[tilespmem:s1], [sflag:$0x1] =	stream.linear.gather [hbm4b:s3+s1], $0x2000, $0x38;
	[tilespmem:$0x8000] =	vst v63  }
0xd: {  	_ =	swait.ge [sflag:s7], $0x2000  }
0xe: {  	[sflag:s7] =	ssyncset.done $0x0  }
0xf: {  	[sflag:s7] =	ssyncadd.s32 $0xFFFFE000  }
0x10: {  	[tilespmem:s8], [sflag:$0x1] =	stream.linear.gather [hbm4b:s4+s1], $0x2000, $0x38;
	[tilespmem:$0x8000] =	vst v63  }
0x11: {  	_ =	swait.ge [sflag:s7], $0x2000  }
0x12: {  	[sflag:s7] =	ssyncset.done $0x0  }
0x13: {  	s13 =	simm.s32 $0x4040;
	[sflag:s7] =	ssyncadd.s32 $0xFFFFE000  }
0x14: {  	[tilespmem:s13+$0xFFFFFFC0] =	vst v2  }
0x15: {  	[tilespmem:s13+$0x30] =	vst v2  }
0x16: {  	[tilespmem:s13+$0x20] =	vst v2  }
0x17: {  	[tilespmem:s13+$0x10] =	vst v2  }
0x18: {  	[tilespmem:s13+$0x0] =	vst v2  }
0x19: {  	[tilespmem:s13+$0xFFFFFFF0] =	vst v2  }
0x1a: {  	s14 =	simm.s32 $0x0;
	s11 =	simm.s32 $0x20;
	s12 =	simm.s32 $0x2020;
	[tilespmem:s13+$0xFFFFFFE0] =	vst v2  }
.LBB2_2:
0x1b: {  	s14 =	sadd.s32 $0x8, s14;
	[tilespmem:s13+$0xFFFFFFD0] =	vst v2;
	s13 =	sadd.s32 $0x80, s13  }
0x1c: {  	[tilespmem:s13+$0xFFFFFFC0] =	vst v2;
	p0 =	slt.u32 s14, $0x3F8  }
0x1d: {  	[tilespmem:s13+$0x30] =	vst v2  }
.Ltmp0:
0x1e: {  	[tilespmem:s13+$0x20] =	vst v2;
	(pc) =	sbr.rel @p0 .LBB2_2-.Ltmp0, $4  }
0x1f: {  	[tilespmem:s13+$0x10] =	vst v2  }
0x20: {  	[tilespmem:s13+$0x0] =	vst v2  }
0x21: {  	[tilespmem:s13+$0xFFFFFFF0] =	vst v2  }
0x22: {  	[tilespmem:s13+$0xFFFFFFE0] =	vst v2  }
0x23: {  	[tilespmem:s13+$0xFFFFFFD0] =	vst v2  }
0x24: {  	v3 =	vld [tilespmem:s12+$0xFFFFFFE0]  }
0x25: {  	v5 =	vld [tilespmem:s12+$0x0]  }
0x26: {  	v4 =	vld [tilespmem:s12+$0xFFFFFFF0]  }
0x27: {  	v6 =	vld [tilespmem:s11+$0x0]  }
0x28: {  	v7 =	vld [tilespmem:s11+$0xFFFFFFE0]  }
0x29: {  	v8 =	vld [tilespmem:s11+$0xFFFFFFF0];
	vm0 =	vge.s32 v3, v0;
	vm1 =	vlt.s32 v3, v1;
	v3 =	vsub.s32 v3, v0  }
0x2a: {  	v10 =	vld [tilespmem:s12+$0x10];
	v9 =	vshll.u32 v3, $0x9;
	v3 =	vsub.s32 v5, v0  }
0x2b: {  	v11 =	vsub.s32 v4, v0;
	v3 =	vshll.u32 v3, $0x9  }
0x2c: {  	s29 =	simm.s32 $0x2060;
	vm2 =	vge.s32 v5, v0;
	vm3 =	vlt.s32 v5, v1;
	v3 =	vadd.s32 v6, v3;
	v6 =	vld [tilespmem:s11+$0x10]  }
0x2d: {  	v15 =	vld [tilespmem:s29+$0x10];
	vm0 =	vmand vm0, vm1;
	vm1 =	vlt.s32 v4, v1;
	v5 =	vadd.s32 v7, v9  }
0x2e: {  	v16 =	vld [tilespmem:s29+$0xFFFFFFF0];
	vm2 =	vmand vm2, vm3;
	vm3 =	vge.s32 v4, v0;
	v7 =	vshll.u32 v11, $0x9;
	(xrf1) =	vunique.msk.u32 vm0, v5  }
0x2f: {  	v4 =	vadd.s32 v8, v7;
	vm0 =	vmand vm3, vm1;
	v8 =	vsub.s32 v10, v0;
	(xrf1) =	vunique.msk.u32 vm2, v3  }
0x30: {  	v9 =	vld [tilespmem:s29+$0xFFFFFFE0];
	vm1 =	vlt.s32 v10, v1;
	v8 =	vshll.u32 v8, $0x9;
	(xrf1) =	vunique.msk.u32 vm0, v4;
	vm0 =	vge.s32 v10, v0  }
0x31: {  	v7 =	vld [tilespmem:s29+$0x0];
	vm0 =	vmand vm0, vm1;
	v6 =	vadd.s32 v6, v8  }
0x32: {  	s30 =	simm.s32 $0x60;
	v12 =	vsub.s32 v15, v0;
	(xrf1) =	vunique.msk.u32 vm0, v6  }
0x33: {  	v18 =	vshll.u32 v12, $0x9;
	v12 =	vsub.s32 v16, v0;
	v10 =	vld [tilespmem:s30+$0xFFFFFFE0]  }
0x34: {  	v20 =	vshll.u32 v12, $0x9;
	v8 =	vld [tilespmem:s30+$0x0]  }
0x35: {  	v14 =	vld [tilespmem:s30+$0xFFFFFFF0];
	vm2 =	vge.s32 v9, v0;
	vm3 =	vlt.s32 v9, v1;
	v9 =	vsub.s32 v9, v0  }
0x36: {  	v17 =	vld [tilespmem:s30+$0x10];
	s11 =	simm.s32 $0x20A0;
	vm1 =	vmand vm2, vm3;
	v9 =	vshll.u32 v9, $0x9;
	v11 =	vsub.s32 v7, v0  }
0x37: {  	v19 =	vld [tilespmem:s11+$0xFFFFFFE0];
	vm2 =	vge.s32 v15, v0;
	vm3 =	vlt.s32 v16, v1;
	vm4 =	vge.s32 v7, v0  }
0x38: {  	v12 =	vld [tilespmem:s11+$0xFFFFFFF0];
	vm5 =	vlt.s32 v7, v1;
	v13 =	vshll.u32 v11, $0x9;
	v9 =	vadd.s32 v10, v9  }
0x39: {  	vm0 =	vmand vm4, vm5;
	vm4 =	vge.s32 v16, v0;
	(xrf1) =	vunique.msk.u32 vm1, v9;
	v8 =	vadd.s32 v8, v13;
	v13 =	vld [tilespmem:s11+$0x10]  }
0x3a: {  	s31 =	simm.s32 $0xA0;
	v7 =	vadd.s32 v14, v20;
	v14 =	vld [tilespmem:s11+$0x0];
	vm3 =	vmand vm4, vm3;
	vm1 =	vlt.s32 v15, v1;
	(xrf1) =	vunique.msk.u32 vm0, v8  }
0x3b: {  	v11 =	vld [tilespmem:s31+$0xFFFFFFF0];
	v10 =	vadd.s32 v17, v18;
	vm1 =	vmand vm2, vm1;
	(xrf1) =	vunique.msk.u32 vm3, v7  }
0x3c: {  	v20 =	vsub.s32 v19, v0;
	v18 =	vld [tilespmem:s31+$0x0];
	(xrf1) =	vunique.msk.u32 vm1, v10;
	_, v15, vm2 =	vpop (xrf1)  }
0x3d: {  	v16 =	vld [tilespmem:s31+$0xFFFFFFE0];
	vm4 =	vlt.s32 v19, v1;
	vm3 =	vge.s32 v19, v0;
	v19 =	vshll.u32 v20, $0x9;
	_, v17, vm0 =	vpop (xrf1)  }
0x3e: {  	s13 =	simm.s32 $0xE0;
	s12 =	simm.s32 $0x8;
	v20 =	vld [tilespmem:s31+$0x10];
	vm3 =	vmand vm3, vm4;
	v15 =	vcvt.s32.f32 v15;
	v22 =	vsub.s32 v13, v0;
	_, v21, vm1 =	vpop (xrf1)  }
.LBB2_4:
0x3f: {  	v23 =	vld [tilespmem:s13+$0xFFFFFFF0];
	s12 =	sadd.s32 $0x4, s12;
	v27 =	vsub.s32 v14, v0;
	vm4 =	vge.s32 v13, v0;
	s11 =	sadd.s32 $0x40, s11;
	v21 =	vcvt.s32.f32 v21;
	v25 =	vmovc v13  }
0x40: {  	vm5 =	vlt.s32 v12, v1;
	v22 =	vshll.u32 v22, $0x9;
	v26 =	vld [tilespmem:s11+$0xFFFFFFF0];
	p0 =	slt.u32 s12, $0x1FC;
	v13 =	vshll.u32 v27, $0x9;
	_, v24, vm6 =	vpop (xrf1)  }
0x41: {  	v28 =	vsub.s32 v12, v0;
	vm7 =	vge.s32 v14, v0;
	v27 =	vld [tilespmem:s11+$0x0];
	v18 =	vadd.s32 v18, v13  }
0x42: {  	vm8 =	vlt.s32 v14, v1;
	v14 =	vcvt.s32.f32 v17;
	v13 =	vshll.u32 v28, $0x9;
	v29 =	vld [tilespmem:s11+$0xFFFFFFE0]  }
0x43: {  	vm7 =	vmand vm7, vm8;
	v17 =	vadd.s32 v11, v13;
	v20 =	vadd.s32 v20, v22;
	[tilespmem:v5+s9+$0x0] =	vst.idx.add.f32.msk vm2, v15  }
0x44: {  	vm2 =	vge.s32 v12, v0;
	v22 =	vcvt.s32.f32 v24;
	v5 =	vmovc v9;
	v9 =	vadd.s32 v16, v19;
	v13 =	vld [tilespmem:s11+$0x10];
	v11 =	vmovc v23  }
0x45: {  	vm2 =	vmand vm2, vm5;
	vm5 =	vlt.s32 v25, v1;
	[tilespmem:v3+s9+$0x0] =	vst.idx.add.f32.msk vm0, v14;
	v12 =	vmovc v26;
	v3 =	vmov v8  }
.Ltmp1:
0x46: {  	vm4 =	vmand vm4, vm5;
	v8 =	vmovc v18;
	(xrf1) =	vunique.msk.u32 vm3, v9;
	[tilespmem:v6+s9+$0x0] =	vst.idx.add.f32.msk vm6, v22;
	v14 =	vmov v27;
	(pc) =	sbr.rel @p0 .LBB2_4-.Ltmp1, $4  }
0x47: {  	v6 =	vmovc v10;
	(xrf1) =	vunique.msk.u32 vm7, v8;
	[tilespmem:v4+s9+$0x0] =	vst.idx.add.f32.msk vm1, v21;
	v4 =	vmov v7;
	v7 =	vmov v17  }
0x48: {  	v10 =	vmov v20;
	v19 =	vsub.s32 v29, v0;
	v18 =	vld [tilespmem:s13+$0x0];
	(xrf1) =	vunique.msk.u32 vm2, v7;
	_, v15, vm2 =	vpop (xrf1)  }
0x49: {  	vm1 =	vge.s32 v29, v0;
	vm3 =	vlt.s32 v29, v1;
	v16 =	vld [tilespmem:s13+$0xFFFFFFE0];
	v15 =	vcvt.s32.f32 v15;
	_, v17, vm0 =	vpop (xrf1)  }
0x4a: {  	vm3 =	vmand vm1, vm3;
	v19 =	vshll.u32 v19, $0x9;
	v22 =	vsub.s32 v13, v0;
	v20 =	vld [tilespmem:s13+$0x10];
	s13 =	sadd.s32 $0x40, s13;
	(xrf1) =	vunique.msk.u32 vm4, v10;
	_, v21, vm1 =	vpop (xrf1)  }
0x4b: {  	v23 =	vsub.s32 v14, v0  }
0x4c: {  	vm4 =	vge.s32 v13, v0;
	vm5 =	vlt.s32 v12, v1;
	v22 =	vshll.u32 v22, $0x9  }
0x4d: {  	v24 =	vsub.s32 v12, v0;
	vm6 =	vge.s32 v14, v0;
	vm7 =	vlt.s32 v14, v1  }
0x4e: {  	vm15 =	vge.s32 v12, v0;
	v23 =	vshll.u32 v23, $0x9;
	v48 =	vadd.s32 v16, v19  }
0x4f: {  	v49 =	vshll.u32 v24, $0x9;
	vm6 =	vmand vm6, vm7;
	v18 =	vadd.s32 v18, v23;
	(xrf1) =	vunique.msk.u32 vm3, v48  }
0x50: {  	vm10 =	vlt.s32 v13, v1;
	vm9 =	vmand vm15, vm5;
	v11 =	vadd.s32 v11, v49;
	(xrf1) =	vunique.msk.u32 vm6, v18  }
0x51: {  	vm4 =	vmand vm4, vm10;
	v50 =	vadd.s32 v20, v22;
	(xrf1) =	vunique.msk.u32 vm9, v11  }
0x52: {  	(xrf1) =	vunique.msk.u32 vm4, v50;
	_ =	sdelay $0x5  }
0x53: {  	_, v51, vm11 =	vpop (xrf1)  }
0x54: {  	_, v52, vm12 =	vpop (xrf1)  }
0x55: {  	v17 =	vcvt.s32.f32 v17;
	_, v53, vm13 =	vpop (xrf1)  }
0x56: {  	[tilespmem:v5+s9+$0x0] =	vst.idx.add.f32.msk vm2, v15;
	v57 =	vcvt.s32.f32 v21;
	_, v54, vm14 =	vpop (xrf1)  }
0x57: {  	v55 =	vcvt.s32.f32 v51;
	[tilespmem:v3+s9+$0x0] =	vst.idx.add.f32.msk vm0, v17;
	_, v56, vm15 =	vpop (xrf1)  }
0x58: {  	[tilespmem:v4+s9+$0x0] =	vst.idx.add.f32.msk vm1, v57;
	v58 =	vcvt.s32.f32 v52;
	_, v3, vm0 =	vpop (xrf1)  }
0x59: {  	[tilespmem:v6+s9+$0x0] =	vst.idx.add.f32.msk vm11, v55;
	v59 =	vcvt.s32.f32 v53;
	_, v6, vm3 =	vpop (xrf1)  }
0x5a: {  	v61 =	vcvt.s32.f32 v54;
	[tilespmem:v9+s9+$0x0] =	vst.idx.add.f32.msk vm12, v58;
	_, v15, vm1 =	vpop (xrf1)  }
0x5b: {  	v60 =	vcvt.s32.f32 v56;
	[tilespmem:v8+s9+$0x0] =	vst.idx.add.f32.msk vm13, v59;
	_, v9, vm4 =	vpop (xrf1)  }
0x5c: {  	[tilespmem:v7+s9+$0x0] =	vst.idx.add.f32.msk vm14, v61;
	v3 =	vcvt.s32.f32 v3  }
0x5d: {  	[tilespmem:v10+s9+$0x0] =	vst.idx.add.f32.msk vm15, v60;
	v62 =	vcvt.s32.f32 v6  }
0x5e: {  	v63 =	vcvt.s32.f32 v15;
	[tilespmem:v48+s9+$0x0] =	vst.idx.add.f32.msk vm0, v3  }
0x5f: {  	s10 =	sadd.s32 $0x1, s10;
	v3 =	vcvt.s32.f32 v9;
	[tilespmem:v18+s9+$0x0] =	vst.idx.add.f32.msk vm3, v62  }
0x60: {  	p0 =	sne.s32 s10, s6;
	[tilespmem:v11+s9+$0x0] =	vst.idx.add.f32.msk vm1, v63  }
.Ltmp2:
0x61: {  	[tilespmem:v50+s9+$0x0] =	vst.idx.add.f32.msk vm4, v3;
	(pc) =	sbr.rel @p0 .LBB2_1-.Ltmp2, $4  }
0x62: {  	[hbm4b:s5+s1] =	stream.linear.scatter [tilespmem:s9], [sflag:$0x1], $0x4000, $0x38;
	[tilespmem:$0x8000] =	vst v63  }
0x63: {  	_ =	swait.ge [sflag:s7], $0x4000  }
0x64: {  	[sflag:s7] =	ssyncset.done $0x0  }
0x65: {  	[sflag:s7] =	ssyncadd.s32 $0xFFFFC000  }
0x66: {  	_ =	sfence.sel $0x180000  }
0x67: {  	[bflag:$0x0] =	sbarrier.arrive $0xFFFF  }
0x68: {  	p0 =	sne.s32 s2, $0x0;
	_ =	strace $0x90000047  }
0x69: {  	s0 =	sadd.s32 @!p0 $0x100000, s0;
	[bflag:$0x2] =	sbarrier.arrive $0xFFFF  }
0x6a: {  	[sflag:s0] =	ssyncadd.tile.s32 @!p0 $0x1;
	_ =	shalt  }
.Lfunc_end2:
_tile_overlayer_lowered:
.L_overlay_start_2:
0x6b: {  	(tag) =	ssettag $0x2  }
0x6c: {  	s0 =	rddreg [dreg:$0x0];
	s2 =	stileid.u32  }
0x6d: {  	s1 =	rddreg [dreg:$0x1];
	p0 =	sne.s32 s2, $0x0  }
0x6e: {  	s3 =	rddreg [dreg:$0x2];
	[bflag:$0x3] =	sbarrier.arrive $0xFFFF;
	s2 =	simm.s32 @!p0 $0x1C01  }
0x6f: {  	[timem:s3], [sflag:s2] =	dma.local @!p0 [hbm:s0], s1  }
0x70: {  	s0 =	simm.s32 @!p0 $0x1  }
0x71: {  	_ =	swait.ge @!p0 [sflag:s0], s1  }
0x72: {  	s1 =	ssub.s32 @!p0 $0x0, s1;
	[sflag:s0] =	ssyncset.done @!p0 $0x0  }
0x73: {  	[sflag:s0] =	ssyncadd.s32 @!p0 s1  }
0x74: {  	[bflag:$0x3] =	sbarrier.arrive $0xFFFF  }
0x75: {  	_ =	shalt  }

</sc_bundles>
